<compile_context>
chip_gen: v7x
topology: tpu7x:2x2x1
jax: 0.10.2.dev20260603
libtpu: 0.0.44.dev20260713+nightly
codegen_flags: <defaults>
</compile_context>

<pallas_src>
import functools

import jax
import jax.numpy as jnp
from jax import lax
from jax.experimental import pallas as pl
from jax.experimental.pallas import tpu as pltpu
from jax.experimental.pallas import tpu_sc as plsc

_G = 128
_S = 32
_NP = 128
_CH = 8192


def _tc_kernel(xyz8_ref, xyzT_ref, xP_ref, yP_ref, zP_ref,
               fidx_ref, idx_ref, cattr_ref, d2_ref, cattr_s_ref):
    f32 = jnp.float32
    n = xyzT_ref.shape[2]
    nc = n // _CH
    xP = xP_ref[0]
    yP = yP_ref[0]
    zP = zP_ref[0]

    r_iota = jax.lax.broadcasted_iota(jnp.int32, (_NP, _NP), 0)
    c_iota = jax.lax.broadcasted_iota(jnp.int32, (_NP, _NP), 1)
    lin = r_iota * _NP + c_iota
    g_iota = jax.lax.broadcasted_iota(jnp.int32, (1, _G), 1)

    def fps_body(i, carry):
        dist, far, idx_row = carry
        row = xyz8_ref[0, pl.ds(far, 1), :]
        cattr_s_ref[pl.ds(i, 1), :] = row
        idx_row = jnp.where(g_iota == i, far, idx_row)
        cx = row[0:1, 0:1]
        cy = row[0:1, 1:2]
        cz = row[0:1, 2:3]
        dx = xP - cx
        dy = yP - cy
        dz = zP - cz
        d = dx * dx + dy * dy
        d = d + dz * dz
        dist = jnp.minimum(dist, d)
        m = jnp.max(dist)
        far2 = jnp.min(jnp.where(dist == m, lin, jnp.int32(n)))
        return dist, far2, idx_row

    dist0 = jnp.full((_NP, _NP), 1e10, dtype=f32)
    idx0 = jnp.zeros((1, _G), dtype=jnp.int32)
    _, _, idx_row = jax.lax.fori_loop(
        0, _G, fps_body, (dist0, jnp.int32(0), idx0))
    idx_ref[0] = idx_row

    cattr = cattr_s_ref[...]
    cattr_ref[0] = cattr
    c2 = jnp.sum(cattr * cattr, axis=1, keepdims=True)

    def d2_chunk(c, _):
        xTc = xyzT_ref[0, :, pl.ds(c * _CH, _CH)]
        n2c = jnp.sum(xTc * xTc, axis=0, keepdims=True)
        xyc = jax.lax.dot_general(cattr, xTc, (((1,), (0,)), ((), ())),
                                  preferred_element_type=f32)
        d2_ref[:, pl.ds(c * _CH, _CH)] = (c2 + n2c) - 2.0 * xyc
        return 0

    jax.lax.fori_loop(0, nc, d2_chunk, 0)

    iota_ch = jax.lax.broadcasted_iota(jnp.int32, (1, _CH), 1)
    nc_iota = jax.lax.broadcasted_iota(jnp.int32, (1, nc), 1)
    s_iota = jax.lax.broadcasted_iota(jnp.int32, (1, _S), 1)

    def topk_body(s, carry):
        idx32, midx_prev = carry

        def chunk_pass(c, cc):
            mins, cands = cc
            off = c * _CH
            d2c = d2_ref[:, pl.ds(off, _CH)]
            d2c = jnp.where(iota_ch + off == midx_prev,
                            jnp.float32(1e30), d2c)
            d2_ref[:, pl.ds(off, _CH)] = d2c
            mc = jnp.min(d2c, axis=1, keepdims=True)
            candc = jnp.min(
                jnp.where(d2c == mc, iota_ch + off, jnp.int32(n)),
                axis=1, keepdims=True)
            mins = jnp.where(nc_iota == c, mc, mins)
            cands = jnp.where(nc_iota == c, candc, cands)
            return mins, cands

        mins0 = jnp.full((_G, nc), jnp.inf, dtype=f32)
        cands0 = jnp.full((_G, nc), n, dtype=jnp.int32)
        mins, cands = jax.lax.fori_loop(0, nc, chunk_pass, (mins0, cands0))
        mval = jnp.min(mins, axis=1, keepdims=True)
        midx = jnp.min(jnp.where(mins == mval, cands, jnp.int32(n)),
                       axis=1, keepdims=True)
        idx32 = jnp.where(s_iota == s, midx, idx32)
        return idx32, midx

    idx32_0 = jnp.zeros((_G, _S), dtype=jnp.int32)
    idx32, _ = jax.lax.fori_loop(
        0, _S, topk_body, (idx32_0, jnp.full((_G, 1), -1, jnp.int32)))
    fidx_ref[0] = idx32 + pl.program_id(0) * n


def _sc_gather_make(rows_total, nw, gpw, rpw):
    mesh = plsc.VectorSubcoreMesh(core_axis_name="c", subcore_axis_name="s")
    nchunk = rpw // 128

    @functools.partial(
        pl.kernel, mesh=mesh,
        compiler_params=pltpu.CompilerParams(use_tc_tiling_on_sc=False),
        out_type=jax.ShapeDtypeStruct((rows_total, 16), jnp.float32),
        scratch_types=[
            pltpu.VMEM((nchunk, 128), jnp.int32),
            pltpu.VMEM((rpw, 16), jnp.float32),
            pltpu.VMEM((gpw, 16), jnp.float32),
            pltpu.SemaphoreType.DMA,
        ],
    )
    def sc_gather(xyz16_hbm, fidx_hbm, cattr16_hbm, out_hbm,
                  idx_v, rows_v, cent_v, sem):
        nc_ = plsc.get_sparse_core_info().num_cores
        wid = lax.axis_index("s") * nc_ + lax.axis_index("c")
        rbase = wid * rpw
        gbase = wid * gpw
        pltpu.sync_copy(fidx_hbm.at[wid], idx_v)
        pltpu.sync_copy(cattr16_hbm.at[pl.ds(gbase, gpw)], cent_v)
        copies = []
        for c in range(nchunk):
            copies.append(pltpu.async_copy(
                xyz16_hbm.at[idx_v.at[c]],
                rows_v.at[pl.ds(c * 128, 128)], sem))
        for cp in copies:
            cp.wait()

        lane = jnp.arange(16, dtype=jnp.int32)
        zero = jnp.zeros((16,), dtype=jnp.float32)

        def group_body(g, _):
            cmask = jnp.where(lane < 3, cent_v[g], zero)
            base = g * _S
            for s in range(_S):
                rows_v[base + s] = rows_v[base + s] - cmask
            return 0

        lax.fori_loop(0, gpw, group_body, 0)
        pltpu.sync_copy(rows_v, out_hbm.at[pl.ds(rbase, rpw)])

    return sc_gather


@jax.jit
def kernel(xyz):
    b, n, a = xyz.shape
    f32 = jnp.float32
    xyz8 = jnp.concatenate(
        [xyz, jnp.zeros((b, n, 8 - a), dtype=xyz.dtype)], axis=-1)
    xyzT = xyz8.transpose(0, 2, 1)
    planes = xyz[:, :, :3].transpose(0, 2, 1).reshape(b, 3, _NP, n // _NP)

    fidx, idx, cattr = pl.pallas_call(
        _tc_kernel,
        grid=(b,),
        in_specs=[
            pl.BlockSpec((1, n, 8), lambda i: (i, 0, 0)),
            pl.BlockSpec((1, 8, n), lambda i: (i, 0, 0)),
            pl.BlockSpec((1, _NP, n // _NP), lambda i: (i, 0, 0)),
            pl.BlockSpec((1, _NP, n // _NP), lambda i: (i, 0, 0)),
            pl.BlockSpec((1, _NP, n // _NP), lambda i: (i, 0, 0)),
        ],
        out_specs=[
            pl.BlockSpec((1, _G, _S), lambda i: (i, 0, 0)),
            pl.BlockSpec((1, 1, _G), lambda i: (i, 0, 0)),
            pl.BlockSpec((1, _G, 8), lambda i: (i, 0, 0)),
        ],
        out_shape=[
            jax.ShapeDtypeStruct((b, _G, _S), jnp.int32),
            jax.ShapeDtypeStruct((b, 1, _G), jnp.int32),
            jax.ShapeDtypeStruct((b, _G, 8), f32),
        ],
        scratch_shapes=[
            pltpu.VMEM((_G, n), f32),
            pltpu.VMEM((_G, 8), f32),
        ],
        compiler_params=pltpu.CompilerParams(
            dimension_semantics=("arbitrary",),
        ),
    )(xyz8, xyzT, planes[:, 0], planes[:, 1], planes[:, 2])

    rows_total = b * _G * _S
    nw = 32
    rpw = rows_total // nw
    gpw = (b * _G) // nw
    xyz16 = jnp.concatenate(
        [xyz.reshape(b * n, a),
         jnp.zeros((b * n, 16 - a), dtype=f32)], axis=-1)
    cattr16 = jnp.concatenate(
        [cattr.reshape(b * _G, 8),
         jnp.zeros((b * _G, 8), dtype=f32)], axis=-1)
    fidx3 = fidx.reshape(nw, rpw // 128, 128)

    nb16 = _sc_gather_make(rows_total, nw, gpw, rpw)(xyz16, fidx3, cattr16)

    neighborhood = nb16.reshape(b, _G, _S, 16)[..., :a]
    center_idx = idx.reshape(b, _G)
    centroids_attrs = cattr[..., :a]
    return (neighborhood, center_idx, centroids_attrs,
            centroids_attrs[..., :3])

# --- scband reference (transcript-rebuilt; emitter-appended) ---
"""Pipeline reference for scband-double-decoder-mae-all-attribute-30193620091451 (READ-ONLY COPY).

The authoritative reference and input builder live on the scoring server;
editing this copy changes nothing except your own understanding.
"""

import jax, jax.numpy as jnp
import numpy as np

NUM_GROUP = 128
GROUP_SIZE = 32
POINTS_ATTRIBUTE = 7
B, N, A = 16, 16384, 7


def setup_inputs(seed: int = 0) -> dict:
    key = jax.random.key(seed)
    xyz = jax.random.normal(key, (B, N, A), dtype=jnp.float32)
    return {"xyz": xyz}


def _farthest_point_sample(xyz, npoint):
    # xyz: [B, N, A]; distance computed on first-3 coords, like the torch code.
    b, n, a = xyz.shape
    batch_idx = jnp.arange(b)

    def body(i, state):
        distance, farthest, centroids, centroids_attrs = state
        centroids = centroids.at[:, i].set(farthest)
        centroid = xyz[batch_idx, farthest, :]  # [B, A]
        centroids_attrs = centroids_attrs.at[:, i, :].set(centroid)
        dist = jnp.sum((xyz[:, :, :3] - centroid[:, None, :3]) ** 2, axis=-1)
        distance = jnp.minimum(distance, dist)
        farthest = jnp.argmax(distance, axis=-1).astype(jnp.int32)
        return (distance, farthest, centroids, centroids_attrs)

    distance0 = jnp.ones((b, n), dtype=jnp.float32) * 1e10
    farthest0 = jnp.zeros((b,), dtype=jnp.int32)  # deterministic start (torch uses randint)
    centroids0 = jnp.zeros((b, npoint), dtype=jnp.int32)
    centroids_attrs0 = jnp.zeros((b, npoint, a), dtype=xyz.dtype)
    _, _, centroids, centroids_attrs = jax.lax.fori_loop(
        0, npoint, body, (distance0, farthest0, centroids0, centroids_attrs0))
    return centroids, centroids_attrs


def _cdist(x, y):
    # x: [B, G, A], y: [B, N, A] -> [B, G, N]
    x2 = jnp.sum(x * x, axis=-1, keepdims=True)        # [B, G, 1]
    y2 = jnp.sum(y * y, axis=-1)[:, None, :]           # [B, 1, N]
    xy = jnp.einsum('bga,bna->bgn', x, y)
    d2 = x2 + y2 - 2.0 * xy
    return jnp.sqrt(jnp.maximum(d2, 1e-12))


def reference(xyz):
    b, n, a = xyz.shape
    center_idx, centroids_attrs = _farthest_point_sample(xyz, NUM_GROUP)
    centroids_coors = centroids_attrs[:, :, :3]
    # knn over full-attribute distance (as in torch: cdist(center, xyz) on A dims)
    dist = _cdist(centroids_attrs, xyz)                      # [B, G, N]
    _, idx = jax.lax.top_k(-dist, GROUP_SIZE)                # smallest distances
    idx_base = (jnp.arange(b) * n).reshape(-1, 1, 1)
    flat_idx = (idx + idx_base).reshape(-1)
    neighborhood = jnp.take(xyz.reshape(b * n, a), flat_idx, axis=0)
    neighborhood = neighborhood.reshape(b, NUM_GROUP, GROUP_SIZE, POINTS_ATTRIBUTE)
    pad_rest = neighborhood[:, :, :, 3:]
    nb_xyz = neighborhood[:, :, :, :3] - centroids_coors[:, :, None, :]
    neighborhood = jnp.concatenate([nb_xyz, pad_rest], axis=-1)
    return neighborhood, center_idx, centroids_attrs, centroids_attrs[:, :, :3]

if __name__ == "__main__":
    import jax
    _d = setup_inputs()
    print(jax.jit(kernel)(*tuple(_d.values())))

</pallas_src>

<mosaic_0001>
#map = affine_map<(d0, d1) -> (0, 0)>
#map1 = affine_map<(d0, d1) -> (0, 0, 0)>
module attributes {stable_mosaic.version = 14 : i64} {
  func.func @sc_gather(%arg0: i32, %arg1: i32, %arg2: memref<262144x16xf32, #tpu.memory_space<hbm>>, %arg3: memref<32x16x128xi32, #tpu.memory_space<hbm>>, %arg4: memref<2048x16xf32, #tpu.memory_space<hbm>>, %arg5: memref<65536x16xf32, #tpu.memory_space<hbm>>, %arg6: memref<16x128xi32, #tpu.memory_space<vmem>>, %arg7: memref<2048x16xf32, #tpu.memory_space<vmem>>, %arg8: memref<64x16xf32, #tpu.memory_space<vmem>>, %arg9: memref<!tpu.dma_semaphore, #tpu.memory_space<semaphore_mem>>) attributes {dimension_semantics = [#tpu.dimension_semantics<core_parallel>, #tpu.dimension_semantics<subcore_parallel>], iteration_bounds = array<i64: 2, 16>, scalar_prefetch = 0 : i64, scratch_operands = 4 : i64, tpu.core_type = #tpu.core_type<sc_vector_subcore>, window_params = [{transform_indices = #map}, {transform_indices = #map1}, {transform_indices = #map}, {transform_indices = #map}]} {
    %mul3A = arith.constant 2 : i32
    %mul3A_0 = arith.muli %arg1, %mul3A : i32
    %add3A = arith.addi %mul3A_0, %arg0 : i32
    %mul3A_1 = arith.constant 2048 : i32
    %mul3A_2 = arith.muli %add3A, %mul3A_1 : i32
    %mul3A_3 = arith.constant 64 : i32
    %mul3A_4 = arith.muli %add3A, %mul3A_3 : i32
    "tpu.region"() ({
      %run_scoped3A = tpu.sem_alloc : memref<!tpu.dma_semaphore, #tpu.memory_space<semaphore_mem>>
      %dma_start3A_330 = arith.constant 0 : i32
      %dma_start3A_331 = arith.constant 0 : i32
      %dma_start3A_332 = tpu.memref_slice %arg3[%add3A, %dma_start3A_330, %dma_start3A_331] : memref<32x16x128xi32, #tpu.memory_space<hbm>> -> memref<1x16x128xi32, #tpu.memory_space<hbm>>
      %dma_start3A_333 = tpu.memref_squeeze %dma_start3A_332 : memref<1x16x128xi32, #tpu.memory_space<hbm>> -> memref<16x128xi32, #tpu.memory_space<hbm>>
      %dma_start3A_334 = arith.constant 0 : i32
      %dma_start3A_335 = arith.constant 0 : i32
      %dma_start3A_336 = tpu.memref_slice %arg3[%add3A, %dma_start3A_334, %dma_start3A_335] : memref<32x16x128xi32, #tpu.memory_space<hbm>> -> memref<1x16x128xi32, #tpu.memory_space<hbm>>
      %dma_start3A_337 = tpu.memref_squeeze %dma_start3A_336 : memref<1x16x128xi32, #tpu.memory_space<hbm>> -> memref<16x128xi32, #tpu.memory_space<hbm>>
      tpu.enqueue_dma source(%dma_start3A_337 : memref<16x128xi32, #tpu.memory_space<hbm>>) target(%arg6 : memref<16x128xi32, #tpu.memory_space<vmem>>) target_semaphore(%run_scoped3A : memref<!tpu.dma_semaphore, #tpu.memory_space<semaphore_mem>>)
      %dma_wait3A_338 = arith.constant 0 : i32
      %dma_wait3A_339 = arith.constant 0 : i32
      %dma_wait3A_340 = tpu.memref_slice %arg3[%add3A, %dma_wait3A_338, %dma_wait3A_339] : memref<32x16x128xi32, #tpu.memory_space<hbm>> -> memref<1x16x128xi32, #tpu.memory_space<hbm>>
      %dma_wait3A_341 = tpu.memref_squeeze %dma_wait3A_340 : memref<1x16x128xi32, #tpu.memory_space<hbm>> -> memref<16x128xi32, #tpu.memory_space<hbm>>
      %dma_wait3A_342 = arith.constant 0 : i32
      %dma_wait3A_343 = arith.constant 0 : i32
      %dma_wait3A_344 = tpu.memref_slice %arg3[%add3A, %dma_wait3A_342, %dma_wait3A_343] : memref<32x16x128xi32, #tpu.memory_space<hbm>> -> memref<1x16x128xi32, #tpu.memory_space<hbm>>
      %dma_wait3A_345 = tpu.memref_squeeze %dma_wait3A_344 : memref<1x16x128xi32, #tpu.memory_space<hbm>> -> memref<16x128xi32, #tpu.memory_space<hbm>>
      tpu.wait_dma2 semaphore(%run_scoped3A : memref<!tpu.dma_semaphore, #tpu.memory_space<semaphore_mem>>) src(%dma_wait3A_345 : memref<16x128xi32, #tpu.memory_space<hbm>>) dst(%arg6 : memref<16x128xi32, #tpu.memory_space<vmem>>)
      tpu.yield
    }) : () -> ()
    "tpu.region"() ({
      %run_scoped3A = tpu.sem_alloc : memref<!tpu.dma_semaphore, #tpu.memory_space<semaphore_mem>>
      %dma_start3A_330 = arith.constant 0 : i32
      %dma_start3A_331 = tpu.memref_slice %arg4[%mul3A_4, %dma_start3A_330] : memref<2048x16xf32, #tpu.memory_space<hbm>> -> memref<64x16xf32, #tpu.memory_space<hbm>>
      %dma_start3A_332 = arith.constant 0 : i32
      %dma_start3A_333 = tpu.memref_slice %arg4[%mul3A_4, %dma_start3A_332] : memref<2048x16xf32, #tpu.memory_space<hbm>> -> memref<64x16xf32, #tpu.memory_space<hbm>>
      tpu.enqueue_dma source(%dma_start3A_333 : memref<64x16xf32, #tpu.memory_space<hbm>>) target(%arg8 : memref<64x16xf32, #tpu.memory_space<vmem>>) target_semaphore(%run_scoped3A : memref<!tpu.dma_semaphore, #tpu.memory_space<semaphore_mem>>)
      %dma_wait3A_334 = arith.constant 0 : i32
      %dma_wait3A_335 = tpu.memref_slice %arg4[%mul3A_4, %dma_wait3A_334] : memref<2048x16xf32, #tpu.memory_space<hbm>> -> memref<64x16xf32, #tpu.memory_space<hbm>>
      %dma_wait3A_336 = arith.constant 0 : i32
      %dma_wait3A_337 = tpu.memref_slice %arg4[%mul3A_4, %dma_wait3A_336] : memref<2048x16xf32, #tpu.memory_space<hbm>> -> memref<64x16xf32, #tpu.memory_space<hbm>>
      tpu.wait_dma2 semaphore(%run_scoped3A : memref<!tpu.dma_semaphore, #tpu.memory_space<semaphore_mem>>) src(%dma_wait3A_337 : memref<64x16xf32, #tpu.memory_space<hbm>>) dst(%arg8 : memref<64x16xf32, #tpu.memory_space<vmem>>)
      tpu.yield
    }) : () -> ()
    %dma_start3A = arith.constant 0 : i32
    %dma_start3A_5 = arith.constant 0 : i32
    %dma_start3A_6 = arith.constant 0 : i32
    %dma_start3A_7 = tpu.memref_slice %arg7[%dma_start3A_5, %dma_start3A_6] : memref<2048x16xf32, #tpu.memory_space<vmem>> -> memref<128x16xf32, #tpu.memory_space<vmem>>
    %dma_start3A_8 = arith.constant 0 : i32
    %dma_start3A_9 = tpu.memref_slice %arg6[%dma_start3A, %dma_start3A_8] : memref<16x128xi32, #tpu.memory_space<vmem>> -> memref<1x128xi32, #tpu.memory_space<vmem>>
    %dma_start3A_10 = tpu.memref_squeeze %dma_start3A_9 : memref<1x128xi32, #tpu.memory_space<vmem>> -> memref<128xi32, #tpu.memory_space<vmem>>
    %dma_start3A_11 = arith.constant 0 : i32
    %dma_start3A_12 = arith.constant 0 : i32
    %dma_start3A_13 = tpu.memref_slice %arg2[%dma_start3A_11, %dma_start3A_12] : memref<262144x16xf32, #tpu.memory_space<hbm>> -> memref<262144x16xf32, #tpu.memory_space<hbm>>
    tpu.enqueue_indirect_dma source(%dma_start3A_13 : memref<262144x16xf32, #tpu.memory_space<hbm>>) target(%dma_start3A_7 : memref<128x16xf32, #tpu.memory_space<vmem>>) offsets(%dma_start3A_10 : memref<128xi32, #tpu.memory_space<vmem>>) semaphore(%arg9 : memref<!tpu.dma_semaphore, #tpu.memory_space<semaphore_mem>>)
    %dma_start3A_14 = arith.constant 1 : i32
    %dma_start3A_15 = arith.constant 128 : i32
    %dma_start3A_16 = arith.constant 0 : i32
    %dma_start3A_17 = tpu.memref_slice %arg7[%dma_start3A_15, %dma_start3A_16] : memref<2048x16xf32, #tpu.memory_space<vmem>> -> memref<128x16xf32, #tpu.memory_space<vmem>>
    %dma_start3A_18 = arith.constant 0 : i32
    %dma_start3A_19 = tpu.memref_slice %arg6[%dma_start3A_14, %dma_start3A_18] : memref<16x128xi32, #tpu.memory_space<vmem>> -> memref<1x128xi32, #tpu.memory_space<vmem>>
    %dma_start3A_20 = tpu.memref_squeeze %dma_start3A_19 : memref<1x128xi32, #tpu.memory_space<vmem>> -> memref<128xi32, #tpu.memory_space<vmem>>
    %dma_start3A_21 = arith.constant 0 : i32
    %dma_start3A_22 = arith.constant 0 : i32
    %dma_start3A_23 = tpu.memref_slice %arg2[%dma_start3A_21, %dma_start3A_22] : memref<262144x16xf32, #tpu.memory_space<hbm>> -> memref<262144x16xf32, #tpu.memory_space<hbm>>
    tpu.enqueue_indirect_dma source(%dma_start3A_23 : memref<262144x16xf32, #tpu.memory_space<hbm>>) target(%dma_start3A_17 : memref<128x16xf32, #tpu.memory_space<vmem>>) offsets(%dma_start3A_20 : memref<128xi32, #tpu.memory_space<vmem>>) semaphore(%arg9 : memref<!tpu.dma_semaphore, #tpu.memory_space<semaphore_mem>>)
    %dma_start3A_24 = arith.constant 2 : i32
    %dma_start3A_25 = arith.constant 256 : i32
    %dma_start3A_26 = arith.constant 0 : i32
    %dma_start3A_27 = tpu.memref_slice %arg7[%dma_start3A_25, %dma_start3A_26] : memref<2048x16xf32, #tpu.memory_space<vmem>> -> memref<128x16xf32, #tpu.memory_space<vmem>>
    %dma_start3A_28 = arith.constant 0 : i32
    %dma_start3A_29 = tpu.memref_slice %arg6[%dma_start3A_24, %dma_start3A_28] : memref<16x128xi32, #tpu.memory_space<vmem>> -> memref<1x128xi32, #tpu.memory_space<vmem>>
    %dma_start3A_30 = tpu.memref_squeeze %dma_start3A_29 : memref<1x128xi32, #tpu.memory_space<vmem>> -> memref<128xi32, #tpu.memory_space<vmem>>
    %dma_start3A_31 = arith.constant 0 : i32
    %dma_start3A_32 = arith.constant 0 : i32
    %dma_start3A_33 = tpu.memref_slice %arg2[%dma_start3A_31, %dma_start3A_32] : memref<262144x16xf32, #tpu.memory_space<hbm>> -> memref<262144x16xf32, #tpu.memory_space<hbm>>
    tpu.enqueue_indirect_dma source(%dma_start3A_33 : memref<262144x16xf32, #tpu.memory_space<hbm>>) target(%dma_start3A_27 : memref<128x16xf32, #tpu.memory_space<vmem>>) offsets(%dma_start3A_30 : memref<128xi32, #tpu.memory_space<vmem>>) semaphore(%arg9 : memref<!tpu.dma_semaphore, #tpu.memory_space<semaphore_mem>>)
    %dma_start3A_34 = arith.constant 3 : i32
    %dma_start3A_35 = arith.constant 384 : i32
    %dma_start3A_36 = arith.constant 0 : i32
    %dma_start3A_37 = tpu.memref_slice %arg7[%dma_start3A_35, %dma_start3A_36] : memref<2048x16xf32, #tpu.memory_space<vmem>> -> memref<128x16xf32, #tpu.memory_space<vmem>>
    %dma_start3A_38 = arith.constant 0 : i32
    %dma_start3A_39 = tpu.memref_slice %arg6[%dma_start3A_34, %dma_start3A_38] : memref<16x128xi32, #tpu.memory_space<vmem>> -> memref<1x128xi32, #tpu.memory_space<vmem>>
    %dma_start3A_40 = tpu.memref_squeeze %dma_start3A_39 : memref<1x128xi32, #tpu.memory_space<vmem>> -> memref<128xi32, #tpu.memory_space<vmem>>
    %dma_start3A_41 = arith.constant 0 : i32
    %dma_start3A_42 = arith.constant 0 : i32
    %dma_start3A_43 = tpu.memref_slice %arg2[%dma_start3A_41, %dma_start3A_42] : memref<262144x16xf32, #tpu.memory_space<hbm>> -> memref<262144x16xf32, #tpu.memory_space<hbm>>
    tpu.enqueue_indirect_dma source(%dma_start3A_43 : memref<262144x16xf32, #tpu.memory_space<hbm>>) target(%dma_start3A_37 : memref<128x16xf32, #tpu.memory_space<vmem>>) offsets(%dma_start3A_40 : memref<128xi32, #tpu.memory_space<vmem>>) semaphore(%arg9 : memref<!tpu.dma_semaphore, #tpu.memory_space<semaphore_mem>>)
    %dma_start3A_44 = arith.constant 4 : i32
    %dma_start3A_45 = arith.constant 512 : i32
    %dma_start3A_46 = arith.constant 0 : i32
    %dma_start3A_47 = tpu.memref_slice %arg7[%dma_start3A_45, %dma_start3A_46] : memref<2048x16xf32, #tpu.memory_space<vmem>> -> memref<128x16xf32, #tpu.memory_space<vmem>>
    %dma_start3A_48 = arith.constant 0 : i32
    %dma_start3A_49 = tpu.memref_slice %arg6[%dma_start3A_44, %dma_start3A_48] : memref<16x128xi32, #tpu.memory_space<vmem>> -> memref<1x128xi32, #tpu.memory_space<vmem>>
    %dma_start3A_50 = tpu.memref_squeeze %dma_start3A_49 : memref<1x128xi32, #tpu.memory_space<vmem>> -> memref<128xi32, #tpu.memory_space<vmem>>
    %dma_start3A_51 = arith.constant 0 : i32
    %dma_start3A_52 = arith.constant 0 : i32
    %dma_start3A_53 = tpu.memref_slice %arg2[%dma_start3A_51, %dma_start3A_52] : memref<262144x16xf32, #tpu.memory_space<hbm>> -> memref<262144x16xf32, #tpu.memory_space<hbm>>
    tpu.enqueue_indirect_dma source(%dma_start3A_53 : memref<262144x16xf32, #tpu.memory_space<hbm>>) target(%dma_start3A_47 : memref<128x16xf32, #tpu.memory_space<vmem>>) offsets(%dma_start3A_50 : memref<128xi32, #tpu.memory_space<vmem>>) semaphore(%arg9 : memref<!tpu.dma_semaphore, #tpu.memory_space<semaphore_mem>>)
    %dma_start3A_54 = arith.constant 5 : i32
    %dma_start3A_55 = arith.constant 640 : i32
    %dma_start3A_56 = arith.constant 0 : i32
    %dma_start3A_57 = tpu.memref_slice %arg7[%dma_start3A_55, %dma_start3A_56] : memref<2048x16xf32, #tpu.memory_space<vmem>> -> memref<128x16xf32, #tpu.memory_space<vmem>>
    %dma_start3A_58 = arith.constant 0 : i32
    %dma_start3A_59 = tpu.memref_slice %arg6[%dma_start3A_54, %dma_start3A_58] : memref<16x128xi32, #tpu.memory_space<vmem>> -> memref<1x128xi32, #tpu.memory_space<vmem>>
    %dma_start3A_60 = tpu.memref_squeeze %dma_start3A_59 : memref<1x128xi32, #tpu.memory_space<vmem>> -> memref<128xi32, #tpu.memory_space<vmem>>
    %dma_start3A_61 = arith.constant 0 : i32
    %dma_start3A_62 = arith.constant 0 : i32
    %dma_start3A_63 = tpu.memref_slice %arg2[%dma_start3A_61, %dma_start3A_62] : memref<262144x16xf32, #tpu.memory_space<hbm>> -> memref<262144x16xf32, #tpu.memory_space<hbm>>
    tpu.enqueue_indirect_dma source(%dma_start3A_63 : memref<262144x16xf32, #tpu.memory_space<hbm>>) target(%dma_start3A_57 : memref<128x16xf32, #tpu.memory_space<vmem>>) offsets(%dma_start3A_60 : memref<128xi32, #tpu.memory_space<vmem>>) semaphore(%arg9 : memref<!tpu.dma_semaphore, #tpu.memory_space<semaphore_mem>>)
    %dma_start3A_64 = arith.constant 6 : i32
    %dma_start3A_65 = arith.constant 768 : i32
    %dma_start3A_66 = arith.constant 0 : i32
    %dma_start3A_67 = tpu.memref_slice %arg7[%dma_start3A_65, %dma_start3A_66] : memref<2048x16xf32, #tpu.memory_space<vmem>> -> memref<128x16xf32, #tpu.memory_space<vmem>>
    %dma_start3A_68 = arith.constant 0 : i32
    %dma_start3A_69 = tpu.memref_slice %arg6[%dma_start3A_64, %dma_start3A_68] : memref<16x128xi32, #tpu.memory_space<vmem>> -> memref<1x128xi32, #tpu.memory_space<vmem>>
    %dma_start3A_70 = tpu.memref_squeeze %dma_start3A_69 : memref<1x128xi32, #tpu.memory_space<vmem>> -> memref<128xi32, #tpu.memory_space<vmem>>
    %dma_start3A_71 = arith.constant 0 : i32
    %dma_start3A_72 = arith.constant 0 : i32
    %dma_start3A_73 = tpu.memref_slice %arg2[%dma_start3A_71, %dma_start3A_72] : memref<262144x16xf32, #tpu.memory_space<hbm>> -> memref<262144x16xf32, #tpu.memory_space<hbm>>
    tpu.enqueue_indirect_dma source(%dma_start3A_73 : memref<262144x16xf32, #tpu.memory_space<hbm>>) target(%dma_start3A_67 : memref<128x16xf32, #tpu.memory_space<vmem>>) offsets(%dma_start3A_70 : memref<128xi32, #tpu.memory_space<vmem>>) semaphore(%arg9 : memref<!tpu.dma_semaphore, #tpu.memory_space<semaphore_mem>>)
    %dma_start3A_74 = arith.constant 7 : i32
    %dma_start3A_75 = arith.constant 896 : i32
    %dma_start3A_76 = arith.constant 0 : i32
    %dma_start3A_77 = tpu.memref_slice %arg7[%dma_start3A_75, %dma_start3A_76] : memref<2048x16xf32, #tpu.memory_space<vmem>> -> memref<128x16xf32, #tpu.memory_space<vmem>>
    %dma_start3A_78 = arith.constant 0 : i32
    %dma_start3A_79 = tpu.memref_slice %arg6[%dma_start3A_74, %dma_start3A_78] : memref<16x128xi32, #tpu.memory_space<vmem>> -> memref<1x128xi32, #tpu.memory_space<vmem>>
    %dma_start3A_80 = tpu.memref_squeeze %dma_start3A_79 : memref<1x128xi32, #tpu.memory_space<vmem>> -> memref<128xi32, #tpu.memory_space<vmem>>
    %dma_start3A_81 = arith.constant 0 : i32
    %dma_start3A_82 = arith.constant 0 : i32
    %dma_start3A_83 = tpu.memref_slice %arg2[%dma_start3A_81, %dma_start3A_82] : memref<262144x16xf32, #tpu.memory_space<hbm>> -> memref<262144x16xf32, #tpu.memory_space<hbm>>
    tpu.enqueue_indirect_dma source(%dma_start3A_83 : memref<262144x16xf32, #tpu.memory_space<hbm>>) target(%dma_start3A_77 : memref<128x16xf32, #tpu.memory_space<vmem>>) offsets(%dma_start3A_80 : memref<128xi32, #tpu.memory_space<vmem>>) semaphore(%arg9 : memref<!tpu.dma_semaphore, #tpu.memory_space<semaphore_mem>>)
    %dma_start3A_84 = arith.constant 8 : i32
    %dma_start3A_85 = arith.constant 1024 : i32
    %dma_start3A_86 = arith.constant 0 : i32
    %dma_start3A_87 = tpu.memref_slice %arg7[%dma_start3A_85, %dma_start3A_86] : memref<2048x16xf32, #tpu.memory_space<vmem>> -> memref<128x16xf32, #tpu.memory_space<vmem>>
    %dma_start3A_88 = arith.constant 0 : i32
    %dma_start3A_89 = tpu.memref_slice %arg6[%dma_start3A_84, %dma_start3A_88] : memref<16x128xi32, #tpu.memory_space<vmem>> -> memref<1x128xi32, #tpu.memory_space<vmem>>
    %dma_start3A_90 = tpu.memref_squeeze %dma_start3A_89 : memref<1x128xi32, #tpu.memory_space<vmem>> -> memref<128xi32, #tpu.memory_space<vmem>>
    %dma_start3A_91 = arith.constant 0 : i32
    %dma_start3A_92 = arith.constant 0 : i32
    %dma_start3A_93 = tpu.memref_slice %arg2[%dma_start3A_91, %dma_start3A_92] : memref<262144x16xf32, #tpu.memory_space<hbm>> -> memref<262144x16xf32, #tpu.memory_space<hbm>>
    tpu.enqueue_indirect_dma source(%dma_start3A_93 : memref<262144x16xf32, #tpu.memory_space<hbm>>) target(%dma_start3A_87 : memref<128x16xf32, #tpu.memory_space<vmem>>) offsets(%dma_start3A_90 : memref<128xi32, #tpu.memory_space<vmem>>) semaphore(%arg9 : memref<!tpu.dma_semaphore, #tpu.memory_space<semaphore_mem>>)
    %dma_start3A_94 = arith.constant 9 : i32
    %dma_start3A_95 = arith.constant 1152 : i32
    %dma_start3A_96 = arith.constant 0 : i32
    %dma_start3A_97 = tpu.memref_slice %arg7[%dma_start3A_95, %dma_start3A_96] : memref<2048x16xf32, #tpu.memory_space<vmem>> -> memref<128x16xf32, #tpu.memory_space<vmem>>
    %dma_start3A_98 = arith.constant 0 : i32
    %dma_start3A_99 = tpu.memref_slice %arg6[%dma_start3A_94, %dma_start3A_98] : memref<16x128xi32, #tpu.memory_space<vmem>> -> memref<1x128xi32, #tpu.memory_space<vmem>>
    %dma_start3A_100 = tpu.memref_squeeze %dma_start3A_99 : memref<1x128xi32, #tpu.memory_space<vmem>> -> memref<128xi32, #tpu.memory_space<vmem>>
    %dma_start3A_101 = arith.constant 0 : i32
    %dma_start3A_102 = arith.constant 0 : i32
    %dma_start3A_103 = tpu.memref_slice %arg2[%dma_start3A_101, %dma_start3A_102] : memref<262144x16xf32, #tpu.memory_space<hbm>> -> memref<262144x16xf32, #tpu.memory_space<hbm>>
    tpu.enqueue_indirect_dma source(%dma_start3A_103 : memref<262144x16xf32, #tpu.memory_space<hbm>>) target(%dma_start3A_97 : memref<128x16xf32, #tpu.memory_space<vmem>>) offsets(%dma_start3A_100 : memref<128xi32, #tpu.memory_space<vmem>>) semaphore(%arg9 : memref<!tpu.dma_semaphore, #tpu.memory_space<semaphore_mem>>)
    %dma_start3A_104 = arith.constant 10 : i32
    %dma_start3A_105 = arith.constant 1280 : i32
    %dma_start3A_106 = arith.constant 0 : i32
    %dma_start3A_107 = tpu.memref_slice %arg7[%dma_start3A_105, %dma_start3A_106] : memref<2048x16xf32, #tpu.memory_space<vmem>> -> memref<128x16xf32, #tpu.memory_space<vmem>>
    %dma_start3A_108 = arith.constant 0 : i32
    %dma_start3A_109 = tpu.memref_slice %arg6[%dma_start3A_104, %dma_start3A_108] : memref<16x128xi32, #tpu.memory_space<vmem>> -> memref<1x128xi32, #tpu.memory_space<vmem>>
    %dma_start3A_110 = tpu.memref_squeeze %dma_start3A_109 : memref<1x128xi32, #tpu.memory_space<vmem>> -> memref<128xi32, #tpu.memory_space<vmem>>
    %dma_start3A_111 = arith.constant 0 : i32
    %dma_start3A_112 = arith.constant 0 : i32
    %dma_start3A_113 = tpu.memref_slice %arg2[%dma_start3A_111, %dma_start3A_112] : memref<262144x16xf32, #tpu.memory_space<hbm>> -> memref<262144x16xf32, #tpu.memory_space<hbm>>
    tpu.enqueue_indirect_dma source(%dma_start3A_113 : memref<262144x16xf32, #tpu.memory_space<hbm>>) target(%dma_start3A_107 : memref<128x16xf32, #tpu.memory_space<vmem>>) offsets(%dma_start3A_110 : memref<128xi32, #tpu.memory_space<vmem>>) semaphore(%arg9 : memref<!tpu.dma_semaphore, #tpu.memory_space<semaphore_mem>>)
    %dma_start3A_114 = arith.constant 11 : i32
    %dma_start3A_115 = arith.constant 1408 : i32
    %dma_start3A_116 = arith.constant 0 : i32
    %dma_start3A_117 = tpu.memref_slice %arg7[%dma_start3A_115, %dma_start3A_116] : memref<2048x16xf32, #tpu.memory_space<vmem>> -> memref<128x16xf32, #tpu.memory_space<vmem>>
    %dma_start3A_118 = arith.constant 0 : i32
    %dma_start3A_119 = tpu.memref_slice %arg6[%dma_start3A_114, %dma_start3A_118] : memref<16x128xi32, #tpu.memory_space<vmem>> -> memref<1x128xi32, #tpu.memory_space<vmem>>
    %dma_start3A_120 = tpu.memref_squeeze %dma_start3A_119 : memref<1x128xi32, #tpu.memory_space<vmem>> -> memref<128xi32, #tpu.memory_space<vmem>>
    %dma_start3A_121 = arith.constant 0 : i32
    %dma_start3A_122 = arith.constant 0 : i32
    %dma_start3A_123 = tpu.memref_slice %arg2[%dma_start3A_121, %dma_start3A_122] : memref<262144x16xf32, #tpu.memory_space<hbm>> -> memref<262144x16xf32, #tpu.memory_space<hbm>>
    tpu.enqueue_indirect_dma source(%dma_start3A_123 : memref<262144x16xf32, #tpu.memory_space<hbm>>) target(%dma_start3A_117 : memref<128x16xf32, #tpu.memory_space<vmem>>) offsets(%dma_start3A_120 : memref<128xi32, #tpu.memory_space<vmem>>) semaphore(%arg9 : memref<!tpu.dma_semaphore, #tpu.memory_space<semaphore_mem>>)
    %dma_start3A_124 = arith.constant 12 : i32
    %dma_start3A_125 = arith.constant 1536 : i32
    %dma_start3A_126 = arith.constant 0 : i32
    %dma_start3A_127 = tpu.memref_slice %arg7[%dma_start3A_125, %dma_start3A_126] : memref<2048x16xf32, #tpu.memory_space<vmem>> -> memref<128x16xf32, #tpu.memory_space<vmem>>
    %dma_start3A_128 = arith.constant 0 : i32
    %dma_start3A_129 = tpu.memref_slice %arg6[%dma_start3A_124, %dma_start3A_128] : memref<16x128xi32, #tpu.memory_space<vmem>> -> memref<1x128xi32, #tpu.memory_space<vmem>>
    %dma_start3A_130 = tpu.memref_squeeze %dma_start3A_129 : memref<1x128xi32, #tpu.memory_space<vmem>> -> memref<128xi32, #tpu.memory_space<vmem>>
    %dma_start3A_131 = arith.constant 0 : i32
    %dma_start3A_132 = arith.constant 0 : i32
    %dma_start3A_133 = tpu.memref_slice %arg2[%dma_start3A_131, %dma_start3A_132] : memref<262144x16xf32, #tpu.memory_space<hbm>> -> memref<262144x16xf32, #tpu.memory_space<hbm>>
    tpu.enqueue_indirect_dma source(%dma_start3A_133 : memref<262144x16xf32, #tpu.memory_space<hbm>>) target(%dma_start3A_127 : memref<128x16xf32, #tpu.memory_space<vmem>>) offsets(%dma_start3A_130 : memref<128xi32, #tpu.memory_space<vmem>>) semaphore(%arg9 : memref<!tpu.dma_semaphore, #tpu.memory_space<semaphore_mem>>)
    %dma_start3A_134 = arith.constant 13 : i32
    %dma_start3A_135 = arith.constant 1664 : i32
    %dma_start3A_136 = arith.constant 0 : i32
    %dma_start3A_137 = tpu.memref_slice %arg7[%dma_start3A_135, %dma_start3A_136] : memref<2048x16xf32, #tpu.memory_space<vmem>> -> memref<128x16xf32, #tpu.memory_space<vmem>>
    %dma_start3A_138 = arith.constant 0 : i32
    %dma_start3A_139 = tpu.memref_slice %arg6[%dma_start3A_134, %dma_start3A_138] : memref<16x128xi32, #tpu.memory_space<vmem>> -> memref<1x128xi32, #tpu.memory_space<vmem>>
    %dma_start3A_140 = tpu.memref_squeeze %dma_start3A_139 : memref<1x128xi32, #tpu.memory_space<vmem>> -> memref<128xi32, #tpu.memory_space<vmem>>
    %dma_start3A_141 = arith.constant 0 : i32
    %dma_start3A_142 = arith.constant 0 : i32
    %dma_start3A_143 = tpu.memref_slice %arg2[%dma_start3A_141, %dma_start3A_142] : memref<262144x16xf32, #tpu.memory_space<hbm>> -> memref<262144x16xf32, #tpu.memory_space<hbm>>
    tpu.enqueue_indirect_dma source(%dma_start3A_143 : memref<262144x16xf32, #tpu.memory_space<hbm>>) target(%dma_start3A_137 : memref<128x16xf32, #tpu.memory_space<vmem>>) offsets(%dma_start3A_140 : memref<128xi32, #tpu.memory_space<vmem>>) semaphore(%arg9 : memref<!tpu.dma_semaphore, #tpu.memory_space<semaphore_mem>>)
    %dma_start3A_144 = arith.constant 14 : i32
    %dma_start3A_145 = arith.constant 1792 : i32
    %dma_start3A_146 = arith.constant 0 : i32
    %dma_start3A_147 = tpu.memref_slice %arg7[%dma_start3A_145, %dma_start3A_146] : memref<2048x16xf32, #tpu.memory_space<vmem>> -> memref<128x16xf32, #tpu.memory_space<vmem>>
    %dma_start3A_148 = arith.constant 0 : i32
    %dma_start3A_149 = tpu.memref_slice %arg6[%dma_start3A_144, %dma_start3A_148] : memref<16x128xi32, #tpu.memory_space<vmem>> -> memref<1x128xi32, #tpu.memory_space<vmem>>
    %dma_start3A_150 = tpu.memref_squeeze %dma_start3A_149 : memref<1x128xi32, #tpu.memory_space<vmem>> -> memref<128xi32, #tpu.memory_space<vmem>>
    %dma_start3A_151 = arith.constant 0 : i32
    %dma_start3A_152 = arith.constant 0 : i32
    %dma_start3A_153 = tpu.memref_slice %arg2[%dma_start3A_151, %dma_start3A_152] : memref<262144x16xf32, #tpu.memory_space<hbm>> -> memref<262144x16xf32, #tpu.memory_space<hbm>>
    tpu.enqueue_indirect_dma source(%dma_start3A_153 : memref<262144x16xf32, #tpu.memory_space<hbm>>) target(%dma_start3A_147 : memref<128x16xf32, #tpu.memory_space<vmem>>) offsets(%dma_start3A_150 : memref<128xi32, #tpu.memory_space<vmem>>) semaphore(%arg9 : memref<!tpu.dma_semaphore, #tpu.memory_space<semaphore_mem>>)
    %dma_start3A_154 = arith.constant 15 : i32
    %dma_start3A_155 = arith.constant 1920 : i32
    %dma_start3A_156 = arith.constant 0 : i32
    %dma_start3A_157 = tpu.memref_slice %arg7[%dma_start3A_155, %dma_start3A_156] : memref<2048x16xf32, #tpu.memory_space<vmem>> -> memref<128x16xf32, #tpu.memory_space<vmem>>
    %dma_start3A_158 = arith.constant 0 : i32
    %dma_start3A_159 = tpu.memref_slice %arg6[%dma_start3A_154, %dma_start3A_158] : memref<16x128xi32, #tpu.memory_space<vmem>> -> memref<1x128xi32, #tpu.memory_space<vmem>>
    %dma_start3A_160 = tpu.memref_squeeze %dma_start3A_159 : memref<1x128xi32, #tpu.memory_space<vmem>> -> memref<128xi32, #tpu.memory_space<vmem>>
    %dma_start3A_161 = arith.constant 0 : i32
    %dma_start3A_162 = arith.constant 0 : i32
    %dma_start3A_163 = tpu.memref_slice %arg2[%dma_start3A_161, %dma_start3A_162] : memref<262144x16xf32, #tpu.memory_space<hbm>> -> memref<262144x16xf32, #tpu.memory_space<hbm>>
    tpu.enqueue_indirect_dma source(%dma_start3A_163 : memref<262144x16xf32, #tpu.memory_space<hbm>>) target(%dma_start3A_157 : memref<128x16xf32, #tpu.memory_space<vmem>>) offsets(%dma_start3A_160 : memref<128xi32, #tpu.memory_space<vmem>>) semaphore(%arg9 : memref<!tpu.dma_semaphore, #tpu.memory_space<semaphore_mem>>)
    %dma_wait3A = arith.constant 0 : i32
    %dma_wait3A_164 = arith.constant 0 : i32
    %dma_wait3A_165 = arith.constant 0 : i32
    %dma_wait3A_166 = tpu.memref_slice %arg7[%dma_wait3A_164, %dma_wait3A_165] : memref<2048x16xf32, #tpu.memory_space<vmem>> -> memref<128x16xf32, #tpu.memory_space<vmem>>
    %dma_wait3A_167 = arith.constant 0 : i32
    %dma_wait3A_168 = tpu.memref_slice %arg6[%dma_wait3A, %dma_wait3A_167] : memref<16x128xi32, #tpu.memory_space<vmem>> -> memref<1x128xi32, #tpu.memory_space<vmem>>
    %dma_wait3A_169 = tpu.memref_squeeze %dma_wait3A_168 : memref<1x128xi32, #tpu.memory_space<vmem>> -> memref<128xi32, #tpu.memory_space<vmem>>
    %dma_wait3A_170 = arith.constant 0 : i32
    %dma_wait3A_171 = arith.constant 0 : i32
    %dma_wait3A_172 = tpu.memref_slice %arg2[%dma_wait3A_170, %dma_wait3A_171] : memref<262144x16xf32, #tpu.memory_space<hbm>> -> memref<262144x16xf32, #tpu.memory_space<hbm>>
    tpu.wait_indirect_dma semaphore(%arg9 : memref<!tpu.dma_semaphore, #tpu.memory_space<semaphore_mem>>) src(%dma_wait3A_172 : memref<262144x16xf32, #tpu.memory_space<hbm>>) dst(%dma_wait3A_166 : memref<128x16xf32, #tpu.memory_space<vmem>>)
    %dma_wait3A_173 = arith.constant 1 : i32
    %dma_wait3A_174 = arith.constant 128 : i32
    %dma_wait3A_175 = arith.constant 0 : i32
    %dma_wait3A_176 = tpu.memref_slice %arg7[%dma_wait3A_174, %dma_wait3A_175] : memref<2048x16xf32, #tpu.memory_space<vmem>> -> memref<128x16xf32, #tpu.memory_space<vmem>>
    %dma_wait3A_177 = arith.constant 0 : i32
    %dma_wait3A_178 = tpu.memref_slice %arg6[%dma_wait3A_173, %dma_wait3A_177] : memref<16x128xi32, #tpu.memory_space<vmem>> -> memref<1x128xi32, #tpu.memory_space<vmem>>
    %dma_wait3A_179 = tpu.memref_squeeze %dma_wait3A_178 : memref<1x128xi32, #tpu.memory_space<vmem>> -> memref<128xi32, #tpu.memory_space<vmem>>
    %dma_wait3A_180 = arith.constant 0 : i32
    %dma_wait3A_181 = arith.constant 0 : i32
    %dma_wait3A_182 = tpu.memref_slice %arg2[%dma_wait3A_180, %dma_wait3A_181] : memref<262144x16xf32, #tpu.memory_space<hbm>> -> memref<262144x16xf32, #tpu.memory_space<hbm>>
    tpu.wait_indirect_dma semaphore(%arg9 : memref<!tpu.dma_semaphore, #tpu.memory_space<semaphore_mem>>) src(%dma_wait3A_182 : memref<262144x16xf32, #tpu.memory_space<hbm>>) dst(%dma_wait3A_176 : memref<128x16xf32, #tpu.memory_space<vmem>>)
    %dma_wait3A_183 = arith.constant 2 : i32
    %dma_wait3A_184 = arith.constant 256 : i32
    %dma_wait3A_185 = arith.constant 0 : i32
    %dma_wait3A_186 = tpu.memref_slice %arg7[%dma_wait3A_184, %dma_wait3A_185] : memref<2048x16xf32, #tpu.memory_space<vmem>> -> memref<128x16xf32, #tpu.memory_space<vmem>>
    %dma_wait3A_187 = arith.constant 0 : i32
    %dma_wait3A_188 = tpu.memref_slice %arg6[%dma_wait3A_183, %dma_wait3A_187] : memref<16x128xi32, #tpu.memory_space<vmem>> -> memref<1x128xi32, #tpu.memory_space<vmem>>
    %dma_wait3A_189 = tpu.memref_squeeze %dma_wait3A_188 : memref<1x128xi32, #tpu.memory_space<vmem>> -> memref<128xi32, #tpu.memory_space<vmem>>
    %dma_wait3A_190 = arith.constant 0 : i32
    %dma_wait3A_191 = arith.constant 0 : i32
    %dma_wait3A_192 = tpu.memref_slice %arg2[%dma_wait3A_190, %dma_wait3A_191] : memref<262144x16xf32, #tpu.memory_space<hbm>> -> memref<262144x16xf32, #tpu.memory_space<hbm>>
    tpu.wait_indirect_dma semaphore(%arg9 : memref<!tpu.dma_semaphore, #tpu.memory_space<semaphore_mem>>) src(%dma_wait3A_192 : memref<262144x16xf32, #tpu.memory_space<hbm>>) dst(%dma_wait3A_186 : memref<128x16xf32, #tpu.memory_space<vmem>>)
    %dma_wait3A_193 = arith.constant 3 : i32
    %dma_wait3A_194 = arith.constant 384 : i32
    %dma_wait3A_195 = arith.constant 0 : i32
    %dma_wait3A_196 = tpu.memref_slice %arg7[%dma_wait3A_194, %dma_wait3A_195] : memref<2048x16xf32, #tpu.memory_space<vmem>> -> memref<128x16xf32, #tpu.memory_space<vmem>>
    %dma_wait3A_197 = arith.constant 0 : i32
    %dma_wait3A_198 = tpu.memref_slice %arg6[%dma_wait3A_193, %dma_wait3A_197] : memref<16x128xi32, #tpu.memory_space<vmem>> -> memref<1x128xi32, #tpu.memory_space<vmem>>
    %dma_wait3A_199 = tpu.memref_squeeze %dma_wait3A_198 : memref<1x128xi32, #tpu.memory_space<vmem>> -> memref<128xi32, #tpu.memory_space<vmem>>
    %dma_wait3A_200 = arith.constant 0 : i32
    %dma_wait3A_201 = arith.constant 0 : i32
    %dma_wait3A_202 = tpu.memref_slice %arg2[%dma_wait3A_200, %dma_wait3A_201] : memref<262144x16xf32, #tpu.memory_space<hbm>> -> memref<262144x16xf32, #tpu.memory_space<hbm>>
    tpu.wait_indirect_dma semaphore(%arg9 : memref<!tpu.dma_semaphore, #tpu.memory_space<semaphore_mem>>) src(%dma_wait3A_202 : memref<262144x16xf32, #tpu.memory_space<hbm>>) dst(%dma_wait3A_196 : memref<128x16xf32, #tpu.memory_space<vmem>>)
    %dma_wait3A_203 = arith.constant 4 : i32
    %dma_wait3A_204 = arith.constant 512 : i32
    %dma_wait3A_205 = arith.constant 0 : i32
    %dma_wait3A_206 = tpu.memref_slice %arg7[%dma_wait3A_204, %dma_wait3A_205] : memref<2048x16xf32, #tpu.memory_space<vmem>> -> memref<128x16xf32, #tpu.memory_space<vmem>>
    %dma_wait3A_207 = arith.constant 0 : i32
    %dma_wait3A_208 = tpu.memref_slice %arg6[%dma_wait3A_203, %dma_wait3A_207] : memref<16x128xi32, #tpu.memory_space<vmem>> -> memref<1x128xi32, #tpu.memory_space<vmem>>
    %dma_wait3A_209 = tpu.memref_squeeze %dma_wait3A_208 : memref<1x128xi32, #tpu.memory_space<vmem>> -> memref<128xi32, #tpu.memory_space<vmem>>
    %dma_wait3A_210 = arith.constant 0 : i32
    %dma_wait3A_211 = arith.constant 0 : i32
    %dma_wait3A_212 = tpu.memref_slice %arg2[%dma_wait3A_210, %dma_wait3A_211] : memref<262144x16xf32, #tpu.memory_space<hbm>> -> memref<262144x16xf32, #tpu.memory_space<hbm>>
    tpu.wait_indirect_dma semaphore(%arg9 : memref<!tpu.dma_semaphore, #tpu.memory_space<semaphore_mem>>) src(%dma_wait3A_212 : memref<262144x16xf32, #tpu.memory_space<hbm>>) dst(%dma_wait3A_206 : memref<128x16xf32, #tpu.memory_space<vmem>>)
    %dma_wait3A_213 = arith.constant 5 : i32
    %dma_wait3A_214 = arith.constant 640 : i32
    %dma_wait3A_215 = arith.constant 0 : i32
    %dma_wait3A_216 = tpu.memref_slice %arg7[%dma_wait3A_214, %dma_wait3A_215] : memref<2048x16xf32, #tpu.memory_space<vmem>> -> memref<128x16xf32, #tpu.memory_space<vmem>>
    %dma_wait3A_217 = arith.constant 0 : i32
    %dma_wait3A_218 = tpu.memref_slice %arg6[%dma_wait3A_213, %dma_wait3A_217] : memref<16x128xi32, #tpu.memory_space<vmem>> -> memref<1x128xi32, #tpu.memory_space<vmem>>
    %dma_wait3A_219 = tpu.memref_squeeze %dma_wait3A_218 : memref<1x128xi32, #tpu.memory_space<vmem>> -> memref<128xi32, #tpu.memory_space<vmem>>
    %dma_wait3A_220 = arith.constant 0 : i32
    %dma_wait3A_221 = arith.constant 0 : i32
    %dma_wait3A_222 = tpu.memref_slice %arg2[%dma_wait3A_220, %dma_wait3A_221] : memref<262144x16xf32, #tpu.memory_space<hbm>> -> memref<262144x16xf32, #tpu.memory_space<hbm>>
    tpu.wait_indirect_dma semaphore(%arg9 : memref<!tpu.dma_semaphore, #tpu.memory_space<semaphore_mem>>) src(%dma_wait3A_222 : memref<262144x16xf32, #tpu.memory_space<hbm>>) dst(%dma_wait3A_216 : memref<128x16xf32, #tpu.memory_space<vmem>>)
    %dma_wait3A_223 = arith.constant 6 : i32
    %dma_wait3A_224 = arith.constant 768 : i32
    %dma_wait3A_225 = arith.constant 0 : i32
    %dma_wait3A_226 = tpu.memref_slice %arg7[%dma_wait3A_224, %dma_wait3A_225] : memref<2048x16xf32, #tpu.memory_space<vmem>> -> memref<128x16xf32, #tpu.memory_space<vmem>>
    %dma_wait3A_227 = arith.constant 0 : i32
    %dma_wait3A_228 = tpu.memref_slice %arg6[%dma_wait3A_223, %dma_wait3A_227] : memref<16x128xi32, #tpu.memory_space<vmem>> -> memref<1x128xi32, #tpu.memory_space<vmem>>
    %dma_wait3A_229 = tpu.memref_squeeze %dma_wait3A_228 : memref<1x128xi32, #tpu.memory_space<vmem>> -> memref<128xi32, #tpu.memory_space<vmem>>
    %dma_wait3A_230 = arith.constant 0 : i32
    %dma_wait3A_231 = arith.constant 0 : i32
    %dma_wait3A_232 = tpu.memref_slice %arg2[%dma_wait3A_230, %dma_wait3A_231] : memref<262144x16xf32, #tpu.memory_space<hbm>> -> memref<262144x16xf32, #tpu.memory_space<hbm>>
    tpu.wait_indirect_dma semaphore(%arg9 : memref<!tpu.dma_semaphore, #tpu.memory_space<semaphore_mem>>) src(%dma_wait3A_232 : memref<262144x16xf32, #tpu.memory_space<hbm>>) dst(%dma_wait3A_226 : memref<128x16xf32, #tpu.memory_space<vmem>>)
    %dma_wait3A_233 = arith.constant 7 : i32
    %dma_wait3A_234 = arith.constant 896 : i32
    %dma_wait3A_235 = arith.constant 0 : i32
    %dma_wait3A_236 = tpu.memref_slice %arg7[%dma_wait3A_234, %dma_wait3A_235] : memref<2048x16xf32, #tpu.memory_space<vmem>> -> memref<128x16xf32, #tpu.memory_space<vmem>>
    %dma_wait3A_237 = arith.constant 0 : i32
    %dma_wait3A_238 = tpu.memref_slice %arg6[%dma_wait3A_233, %dma_wait3A_237] : memref<16x128xi32, #tpu.memory_space<vmem>> -> memref<1x128xi32, #tpu.memory_space<vmem>>
    %dma_wait3A_239 = tpu.memref_squeeze %dma_wait3A_238 : memref<1x128xi32, #tpu.memory_space<vmem>> -> memref<128xi32, #tpu.memory_space<vmem>>
    %dma_wait3A_240 = arith.constant 0 : i32
    %dma_wait3A_241 = arith.constant 0 : i32
    %dma_wait3A_242 = tpu.memref_slice %arg2[%dma_wait3A_240, %dma_wait3A_241] : memref<262144x16xf32, #tpu.memory_space<hbm>> -> memref<262144x16xf32, #tpu.memory_space<hbm>>
    tpu.wait_indirect_dma semaphore(%arg9 : memref<!tpu.dma_semaphore, #tpu.memory_space<semaphore_mem>>) src(%dma_wait3A_242 : memref<262144x16xf32, #tpu.memory_space<hbm>>) dst(%dma_wait3A_236 : memref<128x16xf32, #tpu.memory_space<vmem>>)
    %dma_wait3A_243 = arith.constant 8 : i32
    %dma_wait3A_244 = arith.constant 1024 : i32
    %dma_wait3A_245 = arith.constant 0 : i32
    %dma_wait3A_246 = tpu.memref_slice %arg7[%dma_wait3A_244, %dma_wait3A_245] : memref<2048x16xf32, #tpu.memory_space<vmem>> -> memref<128x16xf32, #tpu.memory_space<vmem>>
    %dma_wait3A_247 = arith.constant 0 : i32
    %dma_wait3A_248 = tpu.memref_slice %arg6[%dma_wait3A_243, %dma_wait3A_247] : memref<16x128xi32, #tpu.memory_space<vmem>> -> memref<1x128xi32, #tpu.memory_space<vmem>>
    %dma_wait3A_249 = tpu.memref_squeeze %dma_wait3A_248 : memref<1x128xi32, #tpu.memory_space<vmem>> -> memref<128xi32, #tpu.memory_space<vmem>>
    %dma_wait3A_250 = arith.constant 0 : i32
    %dma_wait3A_251 = arith.constant 0 : i32
    %dma_wait3A_252 = tpu.memref_slice %arg2[%dma_wait3A_250, %dma_wait3A_251] : memref<262144x16xf32, #tpu.memory_space<hbm>> -> memref<262144x16xf32, #tpu.memory_space<hbm>>
    tpu.wait_indirect_dma semaphore(%arg9 : memref<!tpu.dma_semaphore, #tpu.memory_space<semaphore_mem>>) src(%dma_wait3A_252 : memref<262144x16xf32, #tpu.memory_space<hbm>>) dst(%dma_wait3A_246 : memref<128x16xf32, #tpu.memory_space<vmem>>)
    %dma_wait3A_253 = arith.constant 9 : i32
    %dma_wait3A_254 = arith.constant 1152 : i32
    %dma_wait3A_255 = arith.constant 0 : i32
    %dma_wait3A_256 = tpu.memref_slice %arg7[%dma_wait3A_254, %dma_wait3A_255] : memref<2048x16xf32, #tpu.memory_space<vmem>> -> memref<128x16xf32, #tpu.memory_space<vmem>>
    %dma_wait3A_257 = arith.constant 0 : i32
    %dma_wait3A_258 = tpu.memref_slice %arg6[%dma_wait3A_253, %dma_wait3A_257] : memref<16x128xi32, #tpu.memory_space<vmem>> -> memref<1x128xi32, #tpu.memory_space<vmem>>
    %dma_wait3A_259 = tpu.memref_squeeze %dma_wait3A_258 : memref<1x128xi32, #tpu.memory_space<vmem>> -> memref<128xi32, #tpu.memory_space<vmem>>
    %dma_wait3A_260 = arith.constant 0 : i32
    %dma_wait3A_261 = arith.constant 0 : i32
    %dma_wait3A_262 = tpu.memref_slice %arg2[%dma_wait3A_260, %dma_wait3A_261] : memref<262144x16xf32, #tpu.memory_space<hbm>> -> memref<262144x16xf32, #tpu.memory_space<hbm>>
    tpu.wait_indirect_dma semaphore(%arg9 : memref<!tpu.dma_semaphore, #tpu.memory_space<semaphore_mem>>) src(%dma_wait3A_262 : memref<262144x16xf32, #tpu.memory_space<hbm>>) dst(%dma_wait3A_256 : memref<128x16xf32, #tpu.memory_space<vmem>>)
    %dma_wait3A_263 = arith.constant 10 : i32
    %dma_wait3A_264 = arith.constant 1280 : i32
    %dma_wait3A_265 = arith.constant 0 : i32
    %dma_wait3A_266 = tpu.memref_slice %arg7[%dma_wait3A_264, %dma_wait3A_265] : memref<2048x16xf32, #tpu.memory_space<vmem>> -> memref<128x16xf32, #tpu.memory_space<vmem>>
    %dma_wait3A_267 = arith.constant 0 : i32
    %dma_wait3A_268 = tpu.memref_slice %arg6[%dma_wait3A_263, %dma_wait3A_267] : memref<16x128xi32, #tpu.memory_space<vmem>> -> memref<1x128xi32, #tpu.memory_space<vmem>>
    %dma_wait3A_269 = tpu.memref_squeeze %dma_wait3A_268 : memref<1x128xi32, #tpu.memory_space<vmem>> -> memref<128xi32, #tpu.memory_space<vmem>>
    %dma_wait3A_270 = arith.constant 0 : i32
    %dma_wait3A_271 = arith.constant 0 : i32
    %dma_wait3A_272 = tpu.memref_slice %arg2[%dma_wait3A_270, %dma_wait3A_271] : memref<262144x16xf32, #tpu.memory_space<hbm>> -> memref<262144x16xf32, #tpu.memory_space<hbm>>
    tpu.wait_indirect_dma semaphore(%arg9 : memref<!tpu.dma_semaphore, #tpu.memory_space<semaphore_mem>>) src(%dma_wait3A_272 : memref<262144x16xf32, #tpu.memory_space<hbm>>) dst(%dma_wait3A_266 : memref<128x16xf32, #tpu.memory_space<vmem>>)
    %dma_wait3A_273 = arith.constant 11 : i32
    %dma_wait3A_274 = arith.constant 1408 : i32
    %dma_wait3A_275 = arith.constant 0 : i32
    %dma_wait3A_276 = tpu.memref_slice %arg7[%dma_wait3A_274, %dma_wait3A_275] : memref<2048x16xf32, #tpu.memory_space<vmem>> -> memref<128x16xf32, #tpu.memory_space<vmem>>
    %dma_wait3A_277 = arith.constant 0 : i32
    %dma_wait3A_278 = tpu.memref_slice %arg6[%dma_wait3A_273, %dma_wait3A_277] : memref<16x128xi32, #tpu.memory_space<vmem>> -> memref<1x128xi32, #tpu.memory_space<vmem>>
    %dma_wait3A_279 = tpu.memref_squeeze %dma_wait3A_278 : memref<1x128xi32, #tpu.memory_space<vmem>> -> memref<128xi32, #tpu.memory_space<vmem>>
    %dma_wait3A_280 = arith.constant 0 : i32
    %dma_wait3A_281 = arith.constant 0 : i32
    %dma_wait3A_282 = tpu.memref_slice %arg2[%dma_wait3A_280, %dma_wait3A_281] : memref<262144x16xf32, #tpu.memory_space<hbm>> -> memref<262144x16xf32, #tpu.memory_space<hbm>>
    tpu.wait_indirect_dma semaphore(%arg9 : memref<!tpu.dma_semaphore, #tpu.memory_space<semaphore_mem>>) src(%dma_wait3A_282 : memref<262144x16xf32, #tpu.memory_space<hbm>>) dst(%dma_wait3A_276 : memref<128x16xf32, #tpu.memory_space<vmem>>)
    %dma_wait3A_283 = arith.constant 12 : i32
    %dma_wait3A_284 = arith.constant 1536 : i32
    %dma_wait3A_285 = arith.constant 0 : i32
    %dma_wait3A_286 = tpu.memref_slice %arg7[%dma_wait3A_284, %dma_wait3A_285] : memref<2048x16xf32, #tpu.memory_space<vmem>> -> memref<128x16xf32, #tpu.memory_space<vmem>>
    %dma_wait3A_287 = arith.constant 0 : i32
    %dma_wait3A_288 = tpu.memref_slice %arg6[%dma_wait3A_283, %dma_wait3A_287] : memref<16x128xi32, #tpu.memory_space<vmem>> -> memref<1x128xi32, #tpu.memory_space<vmem>>
    %dma_wait3A_289 = tpu.memref_squeeze %dma_wait3A_288 : memref<1x128xi32, #tpu.memory_space<vmem>> -> memref<128xi32, #tpu.memory_space<vmem>>
    %dma_wait3A_290 = arith.constant 0 : i32
    %dma_wait3A_291 = arith.constant 0 : i32
    %dma_wait3A_292 = tpu.memref_slice %arg2[%dma_wait3A_290, %dma_wait3A_291] : memref<262144x16xf32, #tpu.memory_space<hbm>> -> memref<262144x16xf32, #tpu.memory_space<hbm>>
    tpu.wait_indirect_dma semaphore(%arg9 : memref<!tpu.dma_semaphore, #tpu.memory_space<semaphore_mem>>) src(%dma_wait3A_292 : memref<262144x16xf32, #tpu.memory_space<hbm>>) dst(%dma_wait3A_286 : memref<128x16xf32, #tpu.memory_space<vmem>>)
    %dma_wait3A_293 = arith.constant 13 : i32
    %dma_wait3A_294 = arith.constant 1664 : i32
    %dma_wait3A_295 = arith.constant 0 : i32
    %dma_wait3A_296 = tpu.memref_slice %arg7[%dma_wait3A_294, %dma_wait3A_295] : memref<2048x16xf32, #tpu.memory_space<vmem>> -> memref<128x16xf32, #tpu.memory_space<vmem>>
    %dma_wait3A_297 = arith.constant 0 : i32
    %dma_wait3A_298 = tpu.memref_slice %arg6[%dma_wait3A_293, %dma_wait3A_297] : memref<16x128xi32, #tpu.memory_space<vmem>> -> memref<1x128xi32, #tpu.memory_space<vmem>>
    %dma_wait3A_299 = tpu.memref_squeeze %dma_wait3A_298 : memref<1x128xi32, #tpu.memory_space<vmem>> -> memref<128xi32, #tpu.memory_space<vmem>>
    %dma_wait3A_300 = arith.constant 0 : i32
    %dma_wait3A_301 = arith.constant 0 : i32
    %dma_wait3A_302 = tpu.memref_slice %arg2[%dma_wait3A_300, %dma_wait3A_301] : memref<262144x16xf32, #tpu.memory_space<hbm>> -> memref<262144x16xf32, #tpu.memory_space<hbm>>
    tpu.wait_indirect_dma semaphore(%arg9 : memref<!tpu.dma_semaphore, #tpu.memory_space<semaphore_mem>>) src(%dma_wait3A_302 : memref<262144x16xf32, #tpu.memory_space<hbm>>) dst(%dma_wait3A_296 : memref<128x16xf32, #tpu.memory_space<vmem>>)
    %dma_wait3A_303 = arith.constant 14 : i32
    %dma_wait3A_304 = arith.constant 1792 : i32
    %dma_wait3A_305 = arith.constant 0 : i32
    %dma_wait3A_306 = tpu.memref_slice %arg7[%dma_wait3A_304, %dma_wait3A_305] : memref<2048x16xf32, #tpu.memory_space<vmem>> -> memref<128x16xf32, #tpu.memory_space<vmem>>
    %dma_wait3A_307 = arith.constant 0 : i32
    %dma_wait3A_308 = tpu.memref_slice %arg6[%dma_wait3A_303, %dma_wait3A_307] : memref<16x128xi32, #tpu.memory_space<vmem>> -> memref<1x128xi32, #tpu.memory_space<vmem>>
    %dma_wait3A_309 = tpu.memref_squeeze %dma_wait3A_308 : memref<1x128xi32, #tpu.memory_space<vmem>> -> memref<128xi32, #tpu.memory_space<vmem>>
    %dma_wait3A_310 = arith.constant 0 : i32
    %dma_wait3A_311 = arith.constant 0 : i32
    %dma_wait3A_312 = tpu.memref_slice %arg2[%dma_wait3A_310, %dma_wait3A_311] : memref<262144x16xf32, #tpu.memory_space<hbm>> -> memref<262144x16xf32, #tpu.memory_space<hbm>>
    tpu.wait_indirect_dma semaphore(%arg9 : memref<!tpu.dma_semaphore, #tpu.memory_space<semaphore_mem>>) src(%dma_wait3A_312 : memref<262144x16xf32, #tpu.memory_space<hbm>>) dst(%dma_wait3A_306 : memref<128x16xf32, #tpu.memory_space<vmem>>)
    %dma_wait3A_313 = arith.constant 15 : i32
    %dma_wait3A_314 = arith.constant 1920 : i32
    %dma_wait3A_315 = arith.constant 0 : i32
    %dma_wait3A_316 = tpu.memref_slice %arg7[%dma_wait3A_314, %dma_wait3A_315] : memref<2048x16xf32, #tpu.memory_space<vmem>> -> memref<128x16xf32, #tpu.memory_space<vmem>>
    %dma_wait3A_317 = arith.constant 0 : i32
    %dma_wait3A_318 = tpu.memref_slice %arg6[%dma_wait3A_313, %dma_wait3A_317] : memref<16x128xi32, #tpu.memory_space<vmem>> -> memref<1x128xi32, #tpu.memory_space<vmem>>
    %dma_wait3A_319 = tpu.memref_squeeze %dma_wait3A_318 : memref<1x128xi32, #tpu.memory_space<vmem>> -> memref<128xi32, #tpu.memory_space<vmem>>
    %dma_wait3A_320 = arith.constant 0 : i32
    %dma_wait3A_321 = arith.constant 0 : i32
    %dma_wait3A_322 = tpu.memref_slice %arg2[%dma_wait3A_320, %dma_wait3A_321] : memref<262144x16xf32, #tpu.memory_space<hbm>> -> memref<262144x16xf32, #tpu.memory_space<hbm>>
    tpu.wait_indirect_dma semaphore(%arg9 : memref<!tpu.dma_semaphore, #tpu.memory_space<semaphore_mem>>) src(%dma_wait3A_322 : memref<262144x16xf32, #tpu.memory_space<hbm>>) dst(%dma_wait3A_316 : memref<128x16xf32, #tpu.memory_space<vmem>>)
    %iota3A = tpu.iota {dimensions = array<i32: 0>} : vector<16xi32>
    %broadcast_in_dim3A = arith.constant 0.000000e+00 : f32
    %broadcast_in_dim3A_323 = vector.broadcast %broadcast_in_dim3A : f32 to vector<16xf32>
    %scan3A = arith.constant 0 : i32
    %scan3A_324 = arith.constant 0 : i32
    %scan3A_325 = arith.constant 64 : i32
    %scan3A_326 = arith.addi %scan3A_324, %scan3A_325 : i32
    %scan3A_327 = arith.constant 1 : i32
    %scan3A_328 = scf.for %scan3A_330 = %scan3A_324 to %scan3A_326 step %scan3A_327 iter_args(%scan3A_331 = %scan3A) -> (i32)  : i32 {
      %lt3A = arith.constant 3 : i32
      %lt3A_332 = vector.broadcast %lt3A : i32 to vector<16xi32>
      %lt3A_333 = arith.cmpi slt, %iota3A, %lt3A_332 : vector<16xi32>
      %get3A = arith.index_cast %scan3A_330 : i32 to index
      %get3A_334 = arith.constant 0 : index
      %get3A_335 = tpu.vector_load %arg8[%get3A, %get3A_334] {strides = array<i32>} : memref<64x16xf32, #tpu.memory_space<vmem>>, vector<1x16xf32>,
      %get3A_336 = vector.shape_cast %get3A_335 : vector<1x16xf32> to vector<16xf32>
      %select_n3A = arith.select %lt3A_333, %get3A_336, %broadcast_in_dim3A_323 : vector<16xi1>, vector<16xf32>
      %mul3A_337 = arith.constant 32 : i32
      %mul3A_338 = arith.muli %scan3A_330, %mul3A_337 : i32
      %add3A_339 = arith.constant 0 : i32
      %add3A_340 = arith.addi %mul3A_338, %add3A_339 : i32
      %get3A_341 = arith.index_cast %add3A_340 : i32 to index
      %get3A_342 = arith.constant 0 : index
      %get3A_343 = tpu.vector_load %arg7[%get3A_341, %get3A_342] {strides = array<i32>} : memref<2048x16xf32, #tpu.memory_space<vmem>>, vector<1x16xf32>,
      %get3A_344 = vector.shape_cast %get3A_343 : vector<1x16xf32> to vector<16xf32>
      %sub3A = arith.subf %get3A_344, %select_n3A : vector<16xf32>
      %add3A_345 = arith.constant 0 : i32
      %add3A_346 = arith.addi %mul3A_338, %add3A_345 : i32
      %swap3A = arith.index_cast %add3A_346 : i32 to index
      %swap3A_347 = arith.constant 0 : index
      %swap3A_348 = tpu.vector_load %arg7[%swap3A, %swap3A_347] {strides = array<i32>} : memref<2048x16xf32, #tpu.memory_space<vmem>>, vector<1x16xf32>,
      %swap3A_349 = vector.shape_cast %swap3A_348 : vector<1x16xf32> to vector<16xf32>
      %swap3A_350 = vector.shape_cast %sub3A : vector<16xf32> to vector<1x16xf32>
      tpu.vector_store %arg7[%swap3A, %swap3A_347], %swap3A_350 {strides = array<i32>} : memref<2048x16xf32, #tpu.memory_space<vmem>>, vector<1x16xf32>,
      %add3A_351 = arith.constant 1 : i32
      %add3A_352 = arith.addi %mul3A_338, %add3A_351 : i32
      %get3A_353 = arith.index_cast %add3A_352 : i32 to index
      %get3A_354 = arith.constant 0 : index
      %get3A_355 = tpu.vector_load %arg7[%get3A_353, %get3A_354] {strides = array<i32>} : memref<2048x16xf32, #tpu.memory_space<vmem>>, vector<1x16xf32>,
      %get3A_356 = vector.shape_cast %get3A_355 : vector<1x16xf32> to vector<16xf32>
      %sub3A_357 = arith.subf %get3A_356, %select_n3A : vector<16xf32>
      %add3A_358 = arith.constant 1 : i32
      %add3A_359 = arith.addi %mul3A_338, %add3A_358 : i32
      %swap3A_360 = arith.index_cast %add3A_359 : i32 to index
      %swap3A_361 = arith.constant 0 : index
      %swap3A_362 = tpu.vector_load %arg7[%swap3A_360, %swap3A_361] {strides = array<i32>} : memref<2048x16xf32, #tpu.memory_space<vmem>>, vector<1x16xf32>,
      %swap3A_363 = vector.shape_cast %swap3A_362 : vector<1x16xf32> to vector<16xf32>
      %swap3A_364 = vector.shape_cast %sub3A_357 : vector<16xf32> to vector<1x16xf32>
      tpu.vector_store %arg7[%swap3A_360, %swap3A_361], %swap3A_364 {strides = array<i32>} : memref<2048x16xf32, #tpu.memory_space<vmem>>, vector<1x16xf32>,
      %add3A_365 = arith.constant 2 : i32
      %add3A_366 = arith.addi %mul3A_338, %add3A_365 : i32
      %get3A_367 = arith.index_cast %add3A_366 : i32 to index
      %get3A_368 = arith.constant 0 : index
      %get3A_369 = tpu.vector_load %arg7[%get3A_367, %get3A_368] {strides = array<i32>} : memref<2048x16xf32, #tpu.memory_space<vmem>>, vector<1x16xf32>,
      %get3A_370 = vector.shape_cast %get3A_369 : vector<1x16xf32> to vector<16xf32>
      %sub3A_371 = arith.subf %get3A_370, %select_n3A : vector<16xf32>
      %add3A_372 = arith.constant 2 : i32
      %add3A_373 = arith.addi %mul3A_338, %add3A_372 : i32
      %swap3A_374 = arith.index_cast %add3A_373 : i32 to index
      %swap3A_375 = arith.constant 0 : index
      %swap3A_376 = tpu.vector_load %arg7[%swap3A_374, %swap3A_375] {strides = array<i32>} : memref<2048x16xf32, #tpu.memory_space<vmem>>, vector<1x16xf32>,
      %swap3A_377 = vector.shape_cast %swap3A_376 : vector<1x16xf32> to vector<16xf32>
      %swap3A_378 = vector.shape_cast %sub3A_371 : vector<16xf32> to vector<1x16xf32>
      tpu.vector_store %arg7[%swap3A_374, %swap3A_375], %swap3A_378 {strides = array<i32>} : memref<2048x16xf32, #tpu.memory_space<vmem>>, vector<1x16xf32>,
      %add3A_379 = arith.constant 3 : i32
      %add3A_380 = arith.addi %mul3A_338, %add3A_379 : i32
      %get3A_381 = arith.index_cast %add3A_380 : i32 to index
      %get3A_382 = arith.constant 0 : index
      %get3A_383 = tpu.vector_load %arg7[%get3A_381, %get3A_382] {strides = array<i32>} : memref<2048x16xf32, #tpu.memory_space<vmem>>, vector<1x16xf32>,
      %get3A_384 = vector.shape_cast %get3A_383 : vector<1x16xf32> to vector<16xf32>
      %sub3A_385 = arith.subf %get3A_384, %select_n3A : vector<16xf32>
      %add3A_386 = arith.constant 3 : i32
      %add3A_387 = arith.addi %mul3A_338, %add3A_386 : i32
      %swap3A_388 = arith.index_cast %add3A_387 : i32 to index
      %swap3A_389 = arith.constant 0 : index
      %swap3A_390 = tpu.vector_load %arg7[%swap3A_388, %swap3A_389] {strides = array<i32>} : memref<2048x16xf32, #tpu.memory_space<vmem>>, vector<1x16xf32>,
      %swap3A_391 = vector.shape_cast %swap3A_390 : vector<1x16xf32> to vector<16xf32>
      %swap3A_392 = vector.shape_cast %sub3A_385 : vector<16xf32> to vector<1x16xf32>
      tpu.vector_store %arg7[%swap3A_388, %swap3A_389], %swap3A_392 {strides = array<i32>} : memref<2048x16xf32, #tpu.memory_space<vmem>>, vector<1x16xf32>,
      %add3A_393 = arith.constant 4 : i32
      %add3A_394 = arith.addi %mul3A_338, %add3A_393 : i32
      %get3A_395 = arith.index_cast %add3A_394 : i32 to index
      %get3A_396 = arith.constant 0 : index
      %get3A_397 = tpu.vector_load %arg7[%get3A_395, %get3A_396] {strides = array<i32>} : memref<2048x16xf32, #tpu.memory_space<vmem>>, vector<1x16xf32>,
      %get3A_398 = vector.shape_cast %get3A_397 : vector<1x16xf32> to vector<16xf32>
      %sub3A_399 = arith.subf %get3A_398, %select_n3A : vector<16xf32>
      %add3A_400 = arith.constant 4 : i32
      %add3A_401 = arith.addi %mul3A_338, %add3A_400 : i32
      %swap3A_402 = arith.index_cast %add3A_401 : i32 to index
      %swap3A_403 = arith.constant 0 : index
      %swap3A_404 = tpu.vector_load %arg7[%swap3A_402, %swap3A_403] {strides = array<i32>} : memref<2048x16xf32, #tpu.memory_space<vmem>>, vector<1x16xf32>,
      %swap3A_405 = vector.shape_cast %swap3A_404 : vector<1x16xf32> to vector<16xf32>
      %swap3A_406 = vector.shape_cast %sub3A_399 : vector<16xf32> to vector<1x16xf32>
      tpu.vector_store %arg7[%swap3A_402, %swap3A_403], %swap3A_406 {strides = array<i32>} : memref<2048x16xf32, #tpu.memory_space<vmem>>, vector<1x16xf32>,
      %add3A_407 = arith.constant 5 : i32
      %add3A_408 = arith.addi %mul3A_338, %add3A_407 : i32
      %get3A_409 = arith.index_cast %add3A_408 : i32 to index
      %get3A_410 = arith.constant 0 : index
      %get3A_411 = tpu.vector_load %arg7[%get3A_409, %get3A_410] {strides = array<i32>} : memref<2048x16xf32, #tpu.memory_space<vmem>>, vector<1x16xf32>,
      %get3A_412 = vector.shape_cast %get3A_411 : vector<1x16xf32> to vector<16xf32>
      %sub3A_413 = arith.subf %get3A_412, %select_n3A : vector<16xf32>
      %add3A_414 = arith.constant 5 : i32
      %add3A_415 = arith.addi %mul3A_338, %add3A_414 : i32
      %swap3A_416 = arith.index_cast %add3A_415 : i32 to index
      %swap3A_417 = arith.constant 0 : index
      %swap3A_418 = tpu.vector_load %arg7[%swap3A_416, %swap3A_417] {strides = array<i32>} : memref<2048x16xf32, #tpu.memory_space<vmem>>, vector<1x16xf32>,
      %swap3A_419 = vector.shape_cast %swap3A_418 : vector<1x16xf32> to vector<16xf32>
      %swap3A_420 = vector.shape_cast %sub3A_413 : vector<16xf32> to vector<1x16xf32>
      tpu.vector_store %arg7[%swap3A_416, %swap3A_417], %swap3A_420 {strides = array<i32>} : memref<2048x16xf32, #tpu.memory_space<vmem>>, vector<1x16xf32>,
      %add3A_421 = arith.constant 6 : i32
      %add3A_422 = arith.addi %mul3A_338, %add3A_421 : i32
      %get3A_423 = arith.index_cast %add3A_422 : i32 to index
      %get3A_424 = arith.constant 0 : index
      %get3A_425 = tpu.vector_load %arg7[%get3A_423, %get3A_424] {strides = array<i32>} : memref<2048x16xf32, #tpu.memory_space<vmem>>, vector<1x16xf32>,
      %get3A_426 = vector.shape_cast %get3A_425 : vector<1x16xf32> to vector<16xf32>
      %sub3A_427 = arith.subf %get3A_426, %select_n3A : vector<16xf32>
      %add3A_428 = arith.constant 6 : i32
      %add3A_429 = arith.addi %mul3A_338, %add3A_428 : i32
      %swap3A_430 = arith.index_cast %add3A_429 : i32 to index
      %swap3A_431 = arith.constant 0 : index
      %swap3A_432 = tpu.vector_load %arg7[%swap3A_430, %swap3A_431] {strides = array<i32>} : memref<2048x16xf32, #tpu.memory_space<vmem>>, vector<1x16xf32>,
      %swap3A_433 = vector.shape_cast %swap3A_432 : vector<1x16xf32> to vector<16xf32>
      %swap3A_434 = vector.shape_cast %sub3A_427 : vector<16xf32> to vector<1x16xf32>
      tpu.vector_store %arg7[%swap3A_430, %swap3A_431], %swap3A_434 {strides = array<i32>} : memref<2048x16xf32, #tpu.memory_space<vmem>>, vector<1x16xf32>,
      %add3A_435 = arith.constant 7 : i32
      %add3A_436 = arith.addi %mul3A_338, %add3A_435 : i32
      %get3A_437 = arith.index_cast %add3A_436 : i32 to index
      %get3A_438 = arith.constant 0 : index
      %get3A_439 = tpu.vector_load %arg7[%get3A_437, %get3A_438] {strides = array<i32>} : memref<2048x16xf32, #tpu.memory_space<vmem>>, vector<1x16xf32>,
      %get3A_440 = vector.shape_cast %get3A_439 : vector<1x16xf32> to vector<16xf32>
      %sub3A_441 = arith.subf %get3A_440, %select_n3A : vector<16xf32>
      %add3A_442 = arith.constant 7 : i32
      %add3A_443 = arith.addi %mul3A_338, %add3A_442 : i32
      %swap3A_444 = arith.index_cast %add3A_443 : i32 to index
      %swap3A_445 = arith.constant 0 : index
      %swap3A_446 = tpu.vector_load %arg7[%swap3A_444, %swap3A_445] {strides = array<i32>} : memref<2048x16xf32, #tpu.memory_space<vmem>>, vector<1x16xf32>,
      %swap3A_447 = vector.shape_cast %swap3A_446 : vector<1x16xf32> to vector<16xf32>
      %swap3A_448 = vector.shape_cast %sub3A_441 : vector<16xf32> to vector<1x16xf32>
      tpu.vector_store %arg7[%swap3A_444, %swap3A_445], %swap3A_448 {strides = array<i32>} : memref<2048x16xf32, #tpu.memory_space<vmem>>, vector<1x16xf32>,
      %add3A_449 = arith.constant 8 : i32
      %add3A_450 = arith.addi %mul3A_338, %add3A_449 : i32
      %get3A_451 = arith.index_cast %add3A_450 : i32 to index
      %get3A_452 = arith.constant 0 : index
      %get3A_453 = tpu.vector_load %arg7[%get3A_451, %get3A_452] {strides = array<i32>} : memref<2048x16xf32, #tpu.memory_space<vmem>>, vector<1x16xf32>,
      %get3A_454 = vector.shape_cast %get3A_453 : vector<1x16xf32> to vector<16xf32>
      %sub3A_455 = arith.subf %get3A_454, %select_n3A : vector<16xf32>
      %add3A_456 = arith.constant 8 : i32
      %add3A_457 = arith.addi %mul3A_338, %add3A_456 : i32
      %swap3A_458 = arith.index_cast %add3A_457 : i32 to index
      %swap3A_459 = arith.constant 0 : index
      %swap3A_460 = tpu.vector_load %arg7[%swap3A_458, %swap3A_459] {strides = array<i32>} : memref<2048x16xf32, #tpu.memory_space<vmem>>, vector<1x16xf32>,
      %swap3A_461 = vector.shape_cast %swap3A_460 : vector<1x16xf32> to vector<16xf32>
      %swap3A_462 = vector.shape_cast %sub3A_455 : vector<16xf32> to vector<1x16xf32>
      tpu.vector_store %arg7[%swap3A_458, %swap3A_459], %swap3A_462 {strides = array<i32>} : memref<2048x16xf32, #tpu.memory_space<vmem>>, vector<1x16xf32>,
      %add3A_463 = arith.constant 9 : i32
      %add3A_464 = arith.addi %mul3A_338, %add3A_463 : i32
      %get3A_465 = arith.index_cast %add3A_464 : i32 to index
      %get3A_466 = arith.constant 0 : index
      %get3A_467 = tpu.vector_load %arg7[%get3A_465, %get3A_466] {strides = array<i32>} : memref<2048x16xf32, #tpu.memory_space<vmem>>, vector<1x16xf32>,
      %get3A_468 = vector.shape_cast %get3A_467 : vector<1x16xf32> to vector<16xf32>
      %sub3A_469 = arith.subf %get3A_468, %select_n3A : vector<16xf32>
      %add3A_470 = arith.constant 9 : i32
      %add3A_471 = arith.addi %mul3A_338, %add3A_470 : i32
      %swap3A_472 = arith.index_cast %add3A_471 : i32 to index
      %swap3A_473 = arith.constant 0 : index
      %swap3A_474 = tpu.vector_load %arg7[%swap3A_472, %swap3A_473] {strides = array<i32>} : memref<2048x16xf32, #tpu.memory_space<vmem>>, vector<1x16xf32>,
      %swap3A_475 = vector.shape_cast %swap3A_474 : vector<1x16xf32> to vector<16xf32>
      %swap3A_476 = vector.shape_cast %sub3A_469 : vector<16xf32> to vector<1x16xf32>
      tpu.vector_store %arg7[%swap3A_472, %swap3A_473], %swap3A_476 {strides = array<i32>} : memref<2048x16xf32, #tpu.memory_space<vmem>>, vector<1x16xf32>,
      %add3A_477 = arith.constant 10 : i32
      %add3A_478 = arith.addi %mul3A_338, %add3A_477 : i32
      %get3A_479 = arith.index_cast %add3A_478 : i32 to index
      %get3A_480 = arith.constant 0 : index
      %get3A_481 = tpu.vector_load %arg7[%get3A_479, %get3A_480] {strides = array<i32>} : memref<2048x16xf32, #tpu.memory_space<vmem>>, vector<1x16xf32>,
      %get3A_482 = vector.shape_cast %get3A_481 : vector<1x16xf32> to vector<16xf32>
      %sub3A_483 = arith.subf %get3A_482, %select_n3A : vector<16xf32>
      %add3A_484 = arith.constant 10 : i32
      %add3A_485 = arith.addi %mul3A_338, %add3A_484 : i32
      %swap3A_486 = arith.index_cast %add3A_485 : i32 to index
      %swap3A_487 = arith.constant 0 : index
      %swap3A_488 = tpu.vector_load %arg7[%swap3A_486, %swap3A_487] {strides = array<i32>} : memref<2048x16xf32, #tpu.memory_space<vmem>>, vector<1x16xf32>,
      %swap3A_489 = vector.shape_cast %swap3A_488 : vector<1x16xf32> to vector<16xf32>
      %swap3A_490 = vector.shape_cast %sub3A_483 : vector<16xf32> to vector<1x16xf32>
      tpu.vector_store %arg7[%swap3A_486, %swap3A_487], %swap3A_490 {strides = array<i32>} : memref<2048x16xf32, #tpu.memory_space<vmem>>, vector<1x16xf32>,
      %add3A_491 = arith.constant 11 : i32
      %add3A_492 = arith.addi %mul3A_338, %add3A_491 : i32
      %get3A_493 = arith.index_cast %add3A_492 : i32 to index
      %get3A_494 = arith.constant 0 : index
      %get3A_495 = tpu.vector_load %arg7[%get3A_493, %get3A_494] {strides = array<i32>} : memref<2048x16xf32, #tpu.memory_space<vmem>>, vector<1x16xf32>,
      %get3A_496 = vector.shape_cast %get3A_495 : vector<1x16xf32> to vector<16xf32>
      %sub3A_497 = arith.subf %get3A_496, %select_n3A : vector<16xf32>
      %add3A_498 = arith.constant 11 : i32
      %add3A_499 = arith.addi %mul3A_338, %add3A_498 : i32
      %swap3A_500 = arith.index_cast %add3A_499 : i32 to index
      %swap3A_501 = arith.constant 0 : index
      %swap3A_502 = tpu.vector_load %arg7[%swap3A_500, %swap3A_501] {strides = array<i32>} : memref<2048x16xf32, #tpu.memory_space<vmem>>, vector<1x16xf32>,
      %swap3A_503 = vector.shape_cast %swap3A_502 : vector<1x16xf32> to vector<16xf32>
      %swap3A_504 = vector.shape_cast %sub3A_497 : vector<16xf32> to vector<1x16xf32>
      tpu.vector_store %arg7[%swap3A_500, %swap3A_501], %swap3A_504 {strides = array<i32>} : memref<2048x16xf32, #tpu.memory_space<vmem>>, vector<1x16xf32>,
      %add3A_505 = arith.constant 12 : i32
      %add3A_506 = arith.addi %mul3A_338, %add3A_505 : i32
      %get3A_507 = arith.index_cast %add3A_506 : i32 to index
      %get3A_508 = arith.constant 0 : index
      %get3A_509 = tpu.vector_load %arg7[%get3A_507, %get3A_508] {strides = array<i32>} : memref<2048x16xf32, #tpu.memory_space<vmem>>, vector<1x16xf32>,
      %get3A_510 = vector.shape_cast %get3A_509 : vector<1x16xf32> to vector<16xf32>
      %sub3A_511 = arith.subf %get3A_510, %select_n3A : vector<16xf32>
      %add3A_512 = arith.constant 12 : i32
      %add3A_513 = arith.addi %mul3A_338, %add3A_512 : i32
      %swap3A_514 = arith.index_cast %add3A_513 : i32 to index
      %swap3A_515 = arith.constant 0 : index
      %swap3A_516 = tpu.vector_load %arg7[%swap3A_514, %swap3A_515] {strides = array<i32>} : memref<2048x16xf32, #tpu.memory_space<vmem>>, vector<1x16xf32>,
      %swap3A_517 = vector.shape_cast %swap3A_516 : vector<1x16xf32> to vector<16xf32>
      %swap3A_518 = vector.shape_cast %sub3A_511 : vector<16xf32> to vector<1x16xf32>
      tpu.vector_store %arg7[%swap3A_514, %swap3A_515], %swap3A_518 {strides = array<i32>} : memref<2048x16xf32, #tpu.memory_space<vmem>>, vector<1x16xf32>,
      %add3A_519 = arith.constant 13 : i32
      %add3A_520 = arith.addi %mul3A_338, %add3A_519 : i32
      %get3A_521 = arith.index_cast %add3A_520 : i32 to index
      %get3A_522 = arith.constant 0 : index
      %get3A_523 = tpu.vector_load %arg7[%get3A_521, %get3A_522] {strides = array<i32>} : memref<2048x16xf32, #tpu.memory_space<vmem>>, vector<1x16xf32>,
      %get3A_524 = vector.shape_cast %get3A_523 : vector<1x16xf32> to vector<16xf32>
      %sub3A_525 = arith.subf %get3A_524, %select_n3A : vector<16xf32>
      %add3A_526 = arith.constant 13 : i32
      %add3A_527 = arith.addi %mul3A_338, %add3A_526 : i32
      %swap3A_528 = arith.index_cast %add3A_527 : i32 to index
      %swap3A_529 = arith.constant 0 : index
      %swap3A_530 = tpu.vector_load %arg7[%swap3A_528, %swap3A_529] {strides = array<i32>} : memref<2048x16xf32, #tpu.memory_space<vmem>>, vector<1x16xf32>,
      %swap3A_531 = vector.shape_cast %swap3A_530 : vector<1x16xf32> to vector<16xf32>
      %swap3A_532 = vector.shape_cast %sub3A_525 : vector<16xf32> to vector<1x16xf32>
      tpu.vector_store %arg7[%swap3A_528, %swap3A_529], %swap3A_532 {strides = array<i32>} : memref<2048x16xf32, #tpu.memory_space<vmem>>, vector<1x16xf32>,
      %add3A_533 = arith.constant 14 : i32
      %add3A_534 = arith.addi %mul3A_338, %add3A_533 : i32
      %get3A_535 = arith.index_cast %add3A_534 : i32 to index
      %get3A_536 = arith.constant 0 : index
      %get3A_537 = tpu.vector_load %arg7[%get3A_535, %get3A_536] {strides = array<i32>} : memref<2048x16xf32, #tpu.memory_space<vmem>>, vector<1x16xf32>,
      %get3A_538 = vector.shape_cast %get3A_537 : vector<1x16xf32> to vector<16xf32>
      %sub3A_539 = arith.subf %get3A_538, %select_n3A : vector<16xf32>
      %add3A_540 = arith.constant 14 : i32
      %add3A_541 = arith.addi %mul3A_338, %add3A_540 : i32
      %swap3A_542 = arith.index_cast %add3A_541 : i32 to index
      %swap3A_543 = arith.constant 0 : index
      %swap3A_544 = tpu.vector_load %arg7[%swap3A_542, %swap3A_543] {strides = array<i32>} : memref<2048x16xf32, #tpu.memory_space<vmem>>, vector<1x16xf32>,
      %swap3A_545 = vector.shape_cast %swap3A_544 : vector<1x16xf32> to vector<16xf32>
      %swap3A_546 = vector.shape_cast %sub3A_539 : vector<16xf32> to vector<1x16xf32>
      tpu.vector_store %arg7[%swap3A_542, %swap3A_543], %swap3A_546 {strides = array<i32>} : memref<2048x16xf32, #tpu.memory_space<vmem>>, vector<1x16xf32>,
      %add3A_547 = arith.constant 15 : i32
      %add3A_548 = arith.addi %mul3A_338, %add3A_547 : i32
      %get3A_549 = arith.index_cast %add3A_548 : i32 to index
      %get3A_550 = arith.constant 0 : index
      %get3A_551 = tpu.vector_load %arg7[%get3A_549, %get3A_550] {strides = array<i32>} : memref<2048x16xf32, #tpu.memory_space<vmem>>, vector<1x16xf32>,
      %get3A_552 = vector.shape_cast %get3A_551 : vector<1x16xf32> to vector<16xf32>
      %sub3A_553 = arith.subf %get3A_552, %select_n3A : vector<16xf32>
      %add3A_554 = arith.constant 15 : i32
      %add3A_555 = arith.addi %mul3A_338, %add3A_554 : i32
      %swap3A_556 = arith.index_cast %add3A_555 : i32 to index
      %swap3A_557 = arith.constant 0 : index
      %swap3A_558 = tpu.vector_load %arg7[%swap3A_556, %swap3A_557] {strides = array<i32>} : memref<2048x16xf32, #tpu.memory_space<vmem>>, vector<1x16xf32>,
      %swap3A_559 = vector.shape_cast %swap3A_558 : vector<1x16xf32> to vector<16xf32>
      %swap3A_560 = vector.shape_cast %sub3A_553 : vector<16xf32> to vector<1x16xf32>
      tpu.vector_store %arg7[%swap3A_556, %swap3A_557], %swap3A_560 {strides = array<i32>} : memref<2048x16xf32, #tpu.memory_space<vmem>>, vector<1x16xf32>,
      %add3A_561 = arith.constant 16 : i32
      %add3A_562 = arith.addi %mul3A_338, %add3A_561 : i32
      %get3A_563 = arith.index_cast %add3A_562 : i32 to index
      %get3A_564 = arith.constant 0 : index
      %get3A_565 = tpu.vector_load %arg7[%get3A_563, %get3A_564] {strides = array<i32>} : memref<2048x16xf32, #tpu.memory_space<vmem>>, vector<1x16xf32>,
      %get3A_566 = vector.shape_cast %get3A_565 : vector<1x16xf32> to vector<16xf32>
      %sub3A_567 = arith.subf %get3A_566, %select_n3A : vector<16xf32>
      %add3A_568 = arith.constant 16 : i32
      %add3A_569 = arith.addi %mul3A_338, %add3A_568 : i32
      %swap3A_570 = arith.index_cast %add3A_569 : i32 to index
      %swap3A_571 = arith.constant 0 : index
      %swap3A_572 = tpu.vector_load %arg7[%swap3A_570, %swap3A_571] {strides = array<i32>} : memref<2048x16xf32, #tpu.memory_space<vmem>>, vector<1x16xf32>,
      %swap3A_573 = vector.shape_cast %swap3A_572 : vector<1x16xf32> to vector<16xf32>
      %swap3A_574 = vector.shape_cast %sub3A_567 : vector<16xf32> to vector<1x16xf32>
      tpu.vector_store %arg7[%swap3A_570, %swap3A_571], %swap3A_574 {strides = array<i32>} : memref<2048x16xf32, #tpu.memory_space<vmem>>, vector<1x16xf32>,
      %add3A_575 = arith.constant 17 : i32
      %add3A_576 = arith.addi %mul3A_338, %add3A_575 : i32
      %get3A_577 = arith.index_cast %add3A_576 : i32 to index
      %get3A_578 = arith.constant 0 : index
      %get3A_579 = tpu.vector_load %arg7[%get3A_577, %get3A_578] {strides = array<i32>} : memref<2048x16xf32, #tpu.memory_space<vmem>>, vector<1x16xf32>,
      %get3A_580 = vector.shape_cast %get3A_579 : vector<1x16xf32> to vector<16xf32>
      %sub3A_581 = arith.subf %get3A_580, %select_n3A : vector<16xf32>
      %add3A_582 = arith.constant 17 : i32
      %add3A_583 = arith.addi %mul3A_338, %add3A_582 : i32
      %swap3A_584 = arith.index_cast %add3A_583 : i32 to index
      %swap3A_585 = arith.constant 0 : index
      %swap3A_586 = tpu.vector_load %arg7[%swap3A_584, %swap3A_585] {strides = array<i32>} : memref<2048x16xf32, #tpu.memory_space<vmem>>, vector<1x16xf32>,
      %swap3A_587 = vector.shape_cast %swap3A_586 : vector<1x16xf32> to vector<16xf32>
      %swap3A_588 = vector.shape_cast %sub3A_581 : vector<16xf32> to vector<1x16xf32>
      tpu.vector_store %arg7[%swap3A_584, %swap3A_585], %swap3A_588 {strides = array<i32>} : memref<2048x16xf32, #tpu.memory_space<vmem>>, vector<1x16xf32>,
      %add3A_589 = arith.constant 18 : i32
      %add3A_590 = arith.addi %mul3A_338, %add3A_589 : i32
      %get3A_591 = arith.index_cast %add3A_590 : i32 to index
      %get3A_592 = arith.constant 0 : index
      %get3A_593 = tpu.vector_load %arg7[%get3A_591, %get3A_592] {strides = array<i32>} : memref<2048x16xf32, #tpu.memory_space<vmem>>, vector<1x16xf32>,
      %get3A_594 = vector.shape_cast %get3A_593 : vector<1x16xf32> to vector<16xf32>
      %sub3A_595 = arith.subf %get3A_594, %select_n3A : vector<16xf32>
      %add3A_596 = arith.constant 18 : i32
      %add3A_597 = arith.addi %mul3A_338, %add3A_596 : i32
      %swap3A_598 = arith.index_cast %add3A_597 : i32 to index
      %swap3A_599 = arith.constant 0 : index
      %swap3A_600 = tpu.vector_load %arg7[%swap3A_598, %swap3A_599] {strides = array<i32>} : memref<2048x16xf32, #tpu.memory_space<vmem>>, vector<1x16xf32>,
      %swap3A_601 = vector.shape_cast %swap3A_600 : vector<1x16xf32> to vector<16xf32>
      %swap3A_602 = vector.shape_cast %sub3A_595 : vector<16xf32> to vector<1x16xf32>
      tpu.vector_store %arg7[%swap3A_598, %swap3A_599], %swap3A_602 {strides = array<i32>} : memref<2048x16xf32, #tpu.memory_space<vmem>>, vector<1x16xf32>,
      %add3A_603 = arith.constant 19 : i32
      %add3A_604 = arith.addi %mul3A_338, %add3A_603 : i32
      %get3A_605 = arith.index_cast %add3A_604 : i32 to index
      %get3A_606 = arith.constant 0 : index
      %get3A_607 = tpu.vector_load %arg7[%get3A_605, %get3A_606] {strides = array<i32>} : memref<2048x16xf32, #tpu.memory_space<vmem>>, vector<1x16xf32>,
      %get3A_608 = vector.shape_cast %get3A_607 : vector<1x16xf32> to vector<16xf32>
      %sub3A_609 = arith.subf %get3A_608, %select_n3A : vector<16xf32>
      %add3A_610 = arith.constant 19 : i32
      %add3A_611 = arith.addi %mul3A_338, %add3A_610 : i32
      %swap3A_612 = arith.index_cast %add3A_611 : i32 to index
      %swap3A_613 = arith.constant 0 : index
      %swap3A_614 = tpu.vector_load %arg7[%swap3A_612, %swap3A_613] {strides = array<i32>} : memref<2048x16xf32, #tpu.memory_space<vmem>>, vector<1x16xf32>,
      %swap3A_615 = vector.shape_cast %swap3A_614 : vector<1x16xf32> to vector<16xf32>
      %swap3A_616 = vector.shape_cast %sub3A_609 : vector<16xf32> to vector<1x16xf32>
      tpu.vector_store %arg7[%swap3A_612, %swap3A_613], %swap3A_616 {strides = array<i32>} : memref<2048x16xf32, #tpu.memory_space<vmem>>, vector<1x16xf32>,
      %add3A_617 = arith.constant 20 : i32
      %add3A_618 = arith.addi %mul3A_338, %add3A_617 : i32
      %get3A_619 = arith.index_cast %add3A_618 : i32 to index
      %get3A_620 = arith.constant 0 : index
      %get3A_621 = tpu.vector_load %arg7[%get3A_619, %get3A_620] {strides = array<i32>} : memref<2048x16xf32, #tpu.memory_space<vmem>>, vector<1x16xf32>,
      %get3A_622 = vector.shape_cast %get3A_621 : vector<1x16xf32> to vector<16xf32>
      %sub3A_623 = arith.subf %get3A_622, %select_n3A : vector<16xf32>
      %add3A_624 = arith.constant 20 : i32
      %add3A_625 = arith.addi %mul3A_338, %add3A_624 : i32
      %swap3A_626 = arith.index_cast %add3A_625 : i32 to index
      %swap3A_627 = arith.constant 0 : index
      %swap3A_628 = tpu.vector_load %arg7[%swap3A_626, %swap3A_627] {strides = array<i32>} : memref<2048x16xf32, #tpu.memory_space<vmem>>, vector<1x16xf32>,
      %swap3A_629 = vector.shape_cast %swap3A_628 : vector<1x16xf32> to vector<16xf32>
      %swap3A_630 = vector.shape_cast %sub3A_623 : vector<16xf32> to vector<1x16xf32>
      tpu.vector_store %arg7[%swap3A_626, %swap3A_627], %swap3A_630 {strides = array<i32>} : memref<2048x16xf32, #tpu.memory_space<vmem>>, vector<1x16xf32>,
      %add3A_631 = arith.constant 21 : i32
      %add3A_632 = arith.addi %mul3A_338, %add3A_631 : i32
      %get3A_633 = arith.index_cast %add3A_632 : i32 to index
      %get3A_634 = arith.constant 0 : index
      %get3A_635 = tpu.vector_load %arg7[%get3A_633, %get3A_634] {strides = array<i32>} : memref<2048x16xf32, #tpu.memory_space<vmem>>, vector<1x16xf32>,
      %get3A_636 = vector.shape_cast %get3A_635 : vector<1x16xf32> to vector<16xf32>
      %sub3A_637 = arith.subf %get3A_636, %select_n3A : vector<16xf32>
      %add3A_638 = arith.constant 21 : i32
      %add3A_639 = arith.addi %mul3A_338, %add3A_638 : i32
      %swap3A_640 = arith.index_cast %add3A_639 : i32 to index
      %swap3A_641 = arith.constant 0 : index
      %swap3A_642 = tpu.vector_load %arg7[%swap3A_640, %swap3A_641] {strides = array<i32>} : memref<2048x16xf32, #tpu.memory_space<vmem>>, vector<1x16xf32>,
      %swap3A_643 = vector.shape_cast %swap3A_642 : vector<1x16xf32> to vector<16xf32>
      %swap3A_644 = vector.shape_cast %sub3A_637 : vector<16xf32> to vector<1x16xf32>
      tpu.vector_store %arg7[%swap3A_640, %swap3A_641], %swap3A_644 {strides = array<i32>} : memref<2048x16xf32, #tpu.memory_space<vmem>>, vector<1x16xf32>,
      %add3A_645 = arith.constant 22 : i32
      %add3A_646 = arith.addi %mul3A_338, %add3A_645 : i32
      %get3A_647 = arith.index_cast %add3A_646 : i32 to index
      %get3A_648 = arith.constant 0 : index
      %get3A_649 = tpu.vector_load %arg7[%get3A_647, %get3A_648] {strides = array<i32>} : memref<2048x16xf32, #tpu.memory_space<vmem>>, vector<1x16xf32>,
      %get3A_650 = vector.shape_cast %get3A_649 : vector<1x16xf32> to vector<16xf32>
      %sub3A_651 = arith.subf %get3A_650, %select_n3A : vector<16xf32>
      %add3A_652 = arith.constant 22 : i32
      %add3A_653 = arith.addi %mul3A_338, %add3A_652 : i32
      %swap3A_654 = arith.index_cast %add3A_653 : i32 to index
      %swap3A_655 = arith.constant 0 : index
      %swap3A_656 = tpu.vector_load %arg7[%swap3A_654, %swap3A_655] {strides = array<i32>} : memref<2048x16xf32, #tpu.memory_space<vmem>>, vector<1x16xf32>,
      %swap3A_657 = vector.shape_cast %swap3A_656 : vector<1x16xf32> to vector<16xf32>
      %swap3A_658 = vector.shape_cast %sub3A_651 : vector<16xf32> to vector<1x16xf32>
      tpu.vector_store %arg7[%swap3A_654, %swap3A_655], %swap3A_658 {strides = array<i32>} : memref<2048x16xf32, #tpu.memory_space<vmem>>, vector<1x16xf32>,
      %add3A_659 = arith.constant 23 : i32
      %add3A_660 = arith.addi %mul3A_338, %add3A_659 : i32
      %get3A_661 = arith.index_cast %add3A_660 : i32 to index
      %get3A_662 = arith.constant 0 : index
      %get3A_663 = tpu.vector_load %arg7[%get3A_661, %get3A_662] {strides = array<i32>} : memref<2048x16xf32, #tpu.memory_space<vmem>>, vector<1x16xf32>,
      %get3A_664 = vector.shape_cast %get3A_663 : vector<1x16xf32> to vector<16xf32>
      %sub3A_665 = arith.subf %get3A_664, %select_n3A : vector<16xf32>
      %add3A_666 = arith.constant 23 : i32
      %add3A_667 = arith.addi %mul3A_338, %add3A_666 : i32
      %swap3A_668 = arith.index_cast %add3A_667 : i32 to index
      %swap3A_669 = arith.constant 0 : index
      %swap3A_670 = tpu.vector_load %arg7[%swap3A_668, %swap3A_669] {strides = array<i32>} : memref<2048x16xf32, #tpu.memory_space<vmem>>, vector<1x16xf32>,
      %swap3A_671 = vector.shape_cast %swap3A_670 : vector<1x16xf32> to vector<16xf32>
      %swap3A_672 = vector.shape_cast %sub3A_665 : vector<16xf32> to vector<1x16xf32>
      tpu.vector_store %arg7[%swap3A_668, %swap3A_669], %swap3A_672 {strides = array<i32>} : memref<2048x16xf32, #tpu.memory_space<vmem>>, vector<1x16xf32>,
      %add3A_673 = arith.constant 24 : i32
      %add3A_674 = arith.addi %mul3A_338, %add3A_673 : i32
      %get3A_675 = arith.index_cast %add3A_674 : i32 to index
      %get3A_676 = arith.constant 0 : index
      %get3A_677 = tpu.vector_load %arg7[%get3A_675, %get3A_676] {strides = array<i32>} : memref<2048x16xf32, #tpu.memory_space<vmem>>, vector<1x16xf32>,
      %get3A_678 = vector.shape_cast %get3A_677 : vector<1x16xf32> to vector<16xf32>
      %sub3A_679 = arith.subf %get3A_678, %select_n3A : vector<16xf32>
      %add3A_680 = arith.constant 24 : i32
      %add3A_681 = arith.addi %mul3A_338, %add3A_680 : i32
      %swap3A_682 = arith.index_cast %add3A_681 : i32 to index
      %swap3A_683 = arith.constant 0 : index
      %swap3A_684 = tpu.vector_load %arg7[%swap3A_682, %swap3A_683] {strides = array<i32>} : memref<2048x16xf32, #tpu.memory_space<vmem>>, vector<1x16xf32>,
      %swap3A_685 = vector.shape_cast %swap3A_684 : vector<1x16xf32> to vector<16xf32>
      %swap3A_686 = vector.shape_cast %sub3A_679 : vector<16xf32> to vector<1x16xf32>
      tpu.vector_store %arg7[%swap3A_682, %swap3A_683], %swap3A_686 {strides = array<i32>} : memref<2048x16xf32, #tpu.memory_space<vmem>>, vector<1x16xf32>,
      %add3A_687 = arith.constant 25 : i32
      %add3A_688 = arith.addi %mul3A_338, %add3A_687 : i32
      %get3A_689 = arith.index_cast %add3A_688 : i32 to index
      %get3A_690 = arith.constant 0 : index
      %get3A_691 = tpu.vector_load %arg7[%get3A_689, %get3A_690] {strides = array<i32>} : memref<2048x16xf32, #tpu.memory_space<vmem>>, vector<1x16xf32>,
      %get3A_692 = vector.shape_cast %get3A_691 : vector<1x16xf32> to vector<16xf32>
      %sub3A_693 = arith.subf %get3A_692, %select_n3A : vector<16xf32>
      %add3A_694 = arith.constant 25 : i32
      %add3A_695 = arith.addi %mul3A_338, %add3A_694 : i32
      %swap3A_696 = arith.index_cast %add3A_695 : i32 to index
      %swap3A_697 = arith.constant 0 : index
      %swap3A_698 = tpu.vector_load %arg7[%swap3A_696, %swap3A_697] {strides = array<i32>} : memref<2048x16xf32, #tpu.memory_space<vmem>>, vector<1x16xf32>,
      %swap3A_699 = vector.shape_cast %swap3A_698 : vector<1x16xf32> to vector<16xf32>
      %swap3A_700 = vector.shape_cast %sub3A_693 : vector<16xf32> to vector<1x16xf32>
      tpu.vector_store %arg7[%swap3A_696, %swap3A_697], %swap3A_700 {strides = array<i32>} : memref<2048x16xf32, #tpu.memory_space<vmem>>, vector<1x16xf32>,
      %add3A_701 = arith.constant 26 : i32
      %add3A_702 = arith.addi %mul3A_338, %add3A_701 : i32
      %get3A_703 = arith.index_cast %add3A_702 : i32 to index
      %get3A_704 = arith.constant 0 : index
      %get3A_705 = tpu.vector_load %arg7[%get3A_703, %get3A_704] {strides = array<i32>} : memref<2048x16xf32, #tpu.memory_space<vmem>>, vector<1x16xf32>,
      %get3A_706 = vector.shape_cast %get3A_705 : vector<1x16xf32> to vector<16xf32>
      %sub3A_707 = arith.subf %get3A_706, %select_n3A : vector<16xf32>
      %add3A_708 = arith.constant 26 : i32
      %add3A_709 = arith.addi %mul3A_338, %add3A_708 : i32
      %swap3A_710 = arith.index_cast %add3A_709 : i32 to index
      %swap3A_711 = arith.constant 0 : index
      %swap3A_712 = tpu.vector_load %arg7[%swap3A_710, %swap3A_711] {strides = array<i32>} : memref<2048x16xf32, #tpu.memory_space<vmem>>, vector<1x16xf32>,
      %swap3A_713 = vector.shape_cast %swap3A_712 : vector<1x16xf32> to vector<16xf32>
      %swap3A_714 = vector.shape_cast %sub3A_707 : vector<16xf32> to vector<1x16xf32>
      tpu.vector_store %arg7[%swap3A_710, %swap3A_711], %swap3A_714 {strides = array<i32>} : memref<2048x16xf32, #tpu.memory_space<vmem>>, vector<1x16xf32>,
      %add3A_715 = arith.constant 27 : i32
      %add3A_716 = arith.addi %mul3A_338, %add3A_715 : i32
      %get3A_717 = arith.index_cast %add3A_716 : i32 to index
      %get3A_718 = arith.constant 0 : index
      %get3A_719 = tpu.vector_load %arg7[%get3A_717, %get3A_718] {strides = array<i32>} : memref<2048x16xf32, #tpu.memory_space<vmem>>, vector<1x16xf32>,
      %get3A_720 = vector.shape_cast %get3A_719 : vector<1x16xf32> to vector<16xf32>
      %sub3A_721 = arith.subf %get3A_720, %select_n3A : vector<16xf32>
      %add3A_722 = arith.constant 27 : i32
      %add3A_723 = arith.addi %mul3A_338, %add3A_722 : i32
      %swap3A_724 = arith.index_cast %add3A_723 : i32 to index
      %swap3A_725 = arith.constant 0 : index
      %swap3A_726 = tpu.vector_load %arg7[%swap3A_724, %swap3A_725] {strides = array<i32>} : memref<2048x16xf32, #tpu.memory_space<vmem>>, vector<1x16xf32>,
      %swap3A_727 = vector.shape_cast %swap3A_726 : vector<1x16xf32> to vector<16xf32>
      %swap3A_728 = vector.shape_cast %sub3A_721 : vector<16xf32> to vector<1x16xf32>
      tpu.vector_store %arg7[%swap3A_724, %swap3A_725], %swap3A_728 {strides = array<i32>} : memref<2048x16xf32, #tpu.memory_space<vmem>>, vector<1x16xf32>,
      %add3A_729 = arith.constant 28 : i32
      %add3A_730 = arith.addi %mul3A_338, %add3A_729 : i32
      %get3A_731 = arith.index_cast %add3A_730 : i32 to index
      %get3A_732 = arith.constant 0 : index
      %get3A_733 = tpu.vector_load %arg7[%get3A_731, %get3A_732] {strides = array<i32>} : memref<2048x16xf32, #tpu.memory_space<vmem>>, vector<1x16xf32>,
      %get3A_734 = vector.shape_cast %get3A_733 : vector<1x16xf32> to vector<16xf32>
      %sub3A_735 = arith.subf %get3A_734, %select_n3A : vector<16xf32>
      %add3A_736 = arith.constant 28 : i32
      %add3A_737 = arith.addi %mul3A_338, %add3A_736 : i32
      %swap3A_738 = arith.index_cast %add3A_737 : i32 to index
      %swap3A_739 = arith.constant 0 : index
      %swap3A_740 = tpu.vector_load %arg7[%swap3A_738, %swap3A_739] {strides = array<i32>} : memref<2048x16xf32, #tpu.memory_space<vmem>>, vector<1x16xf32>,
      %swap3A_741 = vector.shape_cast %swap3A_740 : vector<1x16xf32> to vector<16xf32>
      %swap3A_742 = vector.shape_cast %sub3A_735 : vector<16xf32> to vector<1x16xf32>
      tpu.vector_store %arg7[%swap3A_738, %swap3A_739], %swap3A_742 {strides = array<i32>} : memref<2048x16xf32, #tpu.memory_space<vmem>>, vector<1x16xf32>,
      %add3A_743 = arith.constant 29 : i32
      %add3A_744 = arith.addi %mul3A_338, %add3A_743 : i32
      %get3A_745 = arith.index_cast %add3A_744 : i32 to index
      %get3A_746 = arith.constant 0 : index
      %get3A_747 = tpu.vector_load %arg7[%get3A_745, %get3A_746] {strides = array<i32>} : memref<2048x16xf32, #tpu.memory_space<vmem>>, vector<1x16xf32>,
      %get3A_748 = vector.shape_cast %get3A_747 : vector<1x16xf32> to vector<16xf32>
      %sub3A_749 = arith.subf %get3A_748, %select_n3A : vector<16xf32>
      %add3A_750 = arith.constant 29 : i32
      %add3A_751 = arith.addi %mul3A_338, %add3A_750 : i32
      %swap3A_752 = arith.index_cast %add3A_751 : i32 to index
      %swap3A_753 = arith.constant 0 : index
      %swap3A_754 = tpu.vector_load %arg7[%swap3A_752, %swap3A_753] {strides = array<i32>} : memref<2048x16xf32, #tpu.memory_space<vmem>>, vector<1x16xf32>,
      %swap3A_755 = vector.shape_cast %swap3A_754 : vector<1x16xf32> to vector<16xf32>
      %swap3A_756 = vector.shape_cast %sub3A_749 : vector<16xf32> to vector<1x16xf32>
      tpu.vector_store %arg7[%swap3A_752, %swap3A_753], %swap3A_756 {strides = array<i32>} : memref<2048x16xf32, #tpu.memory_space<vmem>>, vector<1x16xf32>,
      %add3A_757 = arith.constant 30 : i32
      %add3A_758 = arith.addi %mul3A_338, %add3A_757 : i32
      %get3A_759 = arith.index_cast %add3A_758 : i32 to index
      %get3A_760 = arith.constant 0 : index
      %get3A_761 = tpu.vector_load %arg7[%get3A_759, %get3A_760] {strides = array<i32>} : memref<2048x16xf32, #tpu.memory_space<vmem>>, vector<1x16xf32>,
      %get3A_762 = vector.shape_cast %get3A_761 : vector<1x16xf32> to vector<16xf32>
      %sub3A_763 = arith.subf %get3A_762, %select_n3A : vector<16xf32>
      %add3A_764 = arith.constant 30 : i32
      %add3A_765 = arith.addi %mul3A_338, %add3A_764 : i32
      %swap3A_766 = arith.index_cast %add3A_765 : i32 to index
      %swap3A_767 = arith.constant 0 : index
      %swap3A_768 = tpu.vector_load %arg7[%swap3A_766, %swap3A_767] {strides = array<i32>} : memref<2048x16xf32, #tpu.memory_space<vmem>>, vector<1x16xf32>,
      %swap3A_769 = vector.shape_cast %swap3A_768 : vector<1x16xf32> to vector<16xf32>
      %swap3A_770 = vector.shape_cast %sub3A_763 : vector<16xf32> to vector<1x16xf32>
      tpu.vector_store %arg7[%swap3A_766, %swap3A_767], %swap3A_770 {strides = array<i32>} : memref<2048x16xf32, #tpu.memory_space<vmem>>, vector<1x16xf32>,
      %add3A_771 = arith.constant 31 : i32
      %add3A_772 = arith.addi %mul3A_338, %add3A_771 : i32
      %get3A_773 = arith.index_cast %add3A_772 : i32 to index
      %get3A_774 = arith.constant 0 : index
      %get3A_775 = tpu.vector_load %arg7[%get3A_773, %get3A_774] {strides = array<i32>} : memref<2048x16xf32, #tpu.memory_space<vmem>>, vector<1x16xf32>,
      %get3A_776 = vector.shape_cast %get3A_775 : vector<1x16xf32> to vector<16xf32>
      %sub3A_777 = arith.subf %get3A_776, %select_n3A : vector<16xf32>
      %add3A_778 = arith.constant 31 : i32
      %add3A_779 = arith.addi %mul3A_338, %add3A_778 : i32
      %swap3A_780 = arith.index_cast %add3A_779 : i32 to index
      %swap3A_781 = arith.constant 0 : index
      %swap3A_782 = tpu.vector_load %arg7[%swap3A_780, %swap3A_781] {strides = array<i32>} : memref<2048x16xf32, #tpu.memory_space<vmem>>, vector<1x16xf32>,
      %swap3A_783 = vector.shape_cast %swap3A_782 : vector<1x16xf32> to vector<16xf32>
      %swap3A_784 = vector.shape_cast %sub3A_777 : vector<16xf32> to vector<1x16xf32>
      tpu.vector_store %arg7[%swap3A_780, %swap3A_781], %swap3A_784 {strides = array<i32>} : memref<2048x16xf32, #tpu.memory_space<vmem>>, vector<1x16xf32>,
      %scan3A_785 = arith.constant 0 : i32
      scf.yield %scan3A_785 : i32
    }
    %scan3A_329 = arith.constant 64 : i32
    "tpu.region"() ({
      %run_scoped3A = tpu.sem_alloc : memref<!tpu.dma_semaphore, #tpu.memory_space<semaphore_mem>>
      %dma_start3A_330 = arith.constant 0 : i32
      %dma_start3A_331 = tpu.memref_slice %arg5[%mul3A_2, %dma_start3A_330] : memref<65536x16xf32, #tpu.memory_space<hbm>> -> memref<2048x16xf32, #tpu.memory_space<hbm>>
      %dma_start3A_332 = arith.constant 0 : i32
      %dma_start3A_333 = tpu.memref_slice %arg5[%mul3A_2, %dma_start3A_332] : memref<65536x16xf32, #tpu.memory_space<hbm>> -> memref<2048x16xf32, #tpu.memory_space<hbm>>
      tpu.enqueue_dma source(%arg7 : memref<2048x16xf32, #tpu.memory_space<vmem>>) target(%dma_start3A_333 : memref<2048x16xf32, #tpu.memory_space<hbm>>) target_semaphore(%run_scoped3A : memref<!tpu.dma_semaphore, #tpu.memory_space<semaphore_mem>>)
      %dma_wait3A_334 = arith.constant 0 : i32
      %dma_wait3A_335 = tpu.memref_slice %arg5[%mul3A_2, %dma_wait3A_334] : memref<65536x16xf32, #tpu.memory_space<hbm>> -> memref<2048x16xf32, #tpu.memory_space<hbm>>
      %dma_wait3A_336 = arith.constant 0 : i32
      %dma_wait3A_337 = tpu.memref_slice %arg5[%mul3A_2, %dma_wait3A_336] : memref<65536x16xf32, #tpu.memory_space<hbm>> -> memref<2048x16xf32, #tpu.memory_space<hbm>>
      tpu.wait_dma2 semaphore(%run_scoped3A : memref<!tpu.dma_semaphore, #tpu.memory_space<semaphore_mem>>) src(%arg7 : memref<2048x16xf32, #tpu.memory_space<vmem>>) dst(%dma_wait3A_337 : memref<2048x16xf32, #tpu.memory_space<hbm>>)
      tpu.yield
    }) : () -> ()
    return
  }
}

module attributes {stable_mosaic.version = 14 : i64} {
  func.func @_tc_kernel(%arg0: i32, %arg1: memref<1x16384x8xf32, #tpu.memory_space<vmem>>, %arg2: memref<1x8x16384xf32, #tpu.memory_space<vmem>>, %arg3: memref<1x128x128xf32, #tpu.memory_space<vmem>>, %arg4: memref<1x128x128xf32, #tpu.memory_space<vmem>>, %arg5: memref<1x128x128xf32, #tpu.memory_space<vmem>>, %arg6: memref<1x128x32xi32, #tpu.memory_space<vmem>>, %arg7: memref<1x1x128xi32, #tpu.memory_space<vmem>>, %arg8: memref<1x128x8xf32, #tpu.memory_space<vmem>>, %arg9: memref<128x16384xf32, #tpu.memory_space<vmem>>, %arg10: memref<128x8xf32, #tpu.memory_space<vmem>>) attributes {dimension_semantics = [#tpu.dimension_semantics<arbitrary>], iteration_bounds = array<i64: 16>, scalar_prefetch = 0 : i64, scratch_operands = 2 : i64, tpu.core_type = #tpu.core_type<tc>, window_params = [{transform_indices = @transform_0, window_bounds = array<i64: 1, 16384, 8>}, {transform_indices = @transform_1, window_bounds = array<i64: 1, 8, 16384>}, {transform_indices = @transform_2, window_bounds = array<i64: 1, 128, 128>}, {transform_indices = @transform_3, window_bounds = array<i64: 1, 128, 128>}, {transform_indices = @transform_4, window_bounds = array<i64: 1, 128, 128>}, {transform_indices = @transform_5, window_bounds = array<i64: 1, 128, 32>}, {transform_indices = @transform_6, window_bounds = array<i64: 1, 1, 128>}, {transform_indices = @transform_7, window_bounds = array<i64: 1, 128, 8>}]} {
    %get3A = arith.constant 0 : index
    %get3A_0 = arith.constant 0 : index
    %get3A_1 = arith.constant 0 : index
    %get3A_2 = vector.load %arg3[%get3A, %get3A_0, %get3A_1] : memref<1x128x128xf32, #tpu.memory_space<vmem>>, vector<1x128x128xf32>
    %get3A_3 = vector.shape_cast %get3A_2 : vector<1x128x128xf32> to vector<128x128xf32>
    %get3A_4 = arith.constant 0 : index
    %get3A_5 = arith.constant 0 : index
    %get3A_6 = arith.constant 0 : index
    %get3A_7 = vector.load %arg4[%get3A_4, %get3A_5, %get3A_6] : memref<1x128x128xf32, #tpu.memory_space<vmem>>, vector<1x128x128xf32>
    %get3A_8 = vector.shape_cast %get3A_7 : vector<1x128x128xf32> to vector<128x128xf32>
    %get3A_9 = arith.constant 0 : index
    %get3A_10 = arith.constant 0 : index
    %get3A_11 = arith.constant 0 : index
    %get3A_12 = vector.load %arg5[%get3A_9, %get3A_10, %get3A_11] : memref<1x128x128xf32, #tpu.memory_space<vmem>>, vector<1x128x128xf32>
    %get3A_13 = vector.shape_cast %get3A_12 : vector<1x128x128xf32> to vector<128x128xf32>
    %iota3A = tpu.iota {dimensions = array<i32: 0>} : vector<128x128xi32>
    %iota3A_14 = tpu.iota {dimensions = array<i32: 1>} : vector<128x128xi32>
    %mul3A = arith.constant 128 : i32
    %mul3A_15 = vector.broadcast %mul3A : i32 to vector<128x128xi32>
    %mul3A_16 = arith.muli %iota3A, %mul3A_15 : vector<128x128xi32>
    %add3A = arith.addi %mul3A_16, %iota3A_14 : vector<128x128xi32>
    %iota3A_17 = tpu.iota {dimensions = array<i32: 1>} : vector<1x128xi32>
    %broadcast_in_dim3A = arith.constant 1.000000e+10 : f32
    %broadcast_in_dim3A_18 = vector.broadcast %broadcast_in_dim3A : f32 to vector<128x128xf32>
    %broadcast_in_dim3A_19 = arith.constant 0 : i32
    %broadcast_in_dim3A_20 = vector.broadcast %broadcast_in_dim3A_19 : i32 to vector<1x128xi32>
    %scan3A = arith.constant 0 : i32
    %scan3A_21 = arith.constant 0 : i32
    %scan3A_22 = arith.constant 128 : i32
    %scan3A_23 = arith.addi %scan3A_21, %scan3A_22 : i32
    %scan3A_24 = arith.constant 1 : i32
    %scan3A_25:3 = scf.for %scan3A_72 = %scan3A_21 to %scan3A_23 step %scan3A_24 iter_args(%scan3A_73 = %broadcast_in_dim3A_18, %scan3A_74 = %scan3A, %scan3A_75 = %broadcast_in_dim3A_20) -> (vector<128x128xf32>, i32, vector<1x128xi32>)  : i32 {
      %get3A_76 = arith.constant 0 : index
      %get3A_77 = arith.index_cast %scan3A_74 : i32 to index
      %get3A_78 = arith.constant 0 : index
      %get3A_79 = vector.load %arg1[%get3A_76, %get3A_77, %get3A_78] : memref<1x16384x8xf32, #tpu.memory_space<vmem>>, vector<1x1x8xf32>
      %get3A_80 = vector.shape_cast %get3A_79 : vector<1x1x8xf32> to vector<1x8xf32>
      %swap3A_81 = arith.index_cast %scan3A_72 : i32 to index
      %swap3A_82 = arith.constant 0 : index
      %swap3A_83 = vector.load %arg10[%swap3A_81, %swap3A_82] : memref<128x8xf32, #tpu.memory_space<vmem>>, vector<1x8xf32>
      tpu.vector_store %arg10[%swap3A_81, %swap3A_82], %get3A_80 {strides = array<i32>} : memref<128x8xf32, #tpu.memory_space<vmem>>, vector<1x8xf32>,
      %eq3A = vector.broadcast %scan3A_72 : i32 to vector<1x128xi32>
      %eq3A_84 = arith.cmpi eq, %iota3A_17, %eq3A : vector<1x128xi32>
      %broadcast_in_dim3A_85 = vector.broadcast %scan3A_74 : i32 to vector<1x128xi32>
      %select_n3A = arith.select %eq3A_84, %broadcast_in_dim3A_85, %scan3A_75 : vector<1x128xi1>, vector<1x128xi32>
      %slice3A = vector.extract_strided_slice %get3A_80 {offsets = [0, 0], sizes = [1, 1], strides = [1, 1]} : vector<1x8xf32> to vector<1x1xf32>
      %slice3A_86 = vector.extract_strided_slice %get3A_80 {offsets = [0, 1], sizes = [1, 1], strides = [1, 1]} : vector<1x8xf32> to vector<1x1xf32>
      %slice3A_87 = vector.extract_strided_slice %get3A_80 {offsets = [0, 2], sizes = [1, 1], strides = [1, 1]} : vector<1x8xf32> to vector<1x1xf32>
      %sub3A = vector.broadcast %slice3A : vector<1x1xf32> to vector<128x128xf32>
      %sub3A_88 = arith.subf %get3A_3, %sub3A : vector<128x128xf32>
      %sub3A_89 = vector.broadcast %slice3A_86 : vector<1x1xf32> to vector<128x128xf32>
      %sub3A_90 = arith.subf %get3A_8, %sub3A_89 : vector<128x128xf32>
      %sub3A_91 = vector.broadcast %slice3A_87 : vector<1x1xf32> to vector<128x128xf32>
      %sub3A_92 = arith.subf %get3A_13, %sub3A_91 : vector<128x128xf32>
      %mul3A_93 = arith.mulf %sub3A_88, %sub3A_88 : vector<128x128xf32>
      %mul3A_94 = arith.mulf %sub3A_90, %sub3A_90 : vector<128x128xf32>
      %add3A_95 = arith.addf %mul3A_93, %mul3A_94 : vector<128x128xf32>
      %mul3A_96 = arith.mulf %sub3A_92, %sub3A_92 : vector<128x128xf32>
      %add3A_97 = arith.addf %add3A_95, %mul3A_96 : vector<128x128xf32>
      %min3A = arith.minimumf %scan3A_73, %add3A_97 : vector<128x128xf32>
      %reduce_max3A = vector.shape_cast %min3A : vector<128x128xf32> to vector<1x128x128xf32>
      %reduce_max3A_98 = arith.constant dense<0xFF800000> : vector<1xf32>
      %reduce_max3A_99 = vector.multi_reduction <maximumf>, %reduce_max3A, %reduce_max3A_98 [1, 2] : vector<1x128x128xf32> to vector<1xf32>
      %reduce_max3A_100 = vector.shape_cast %reduce_max3A_99 : vector<1xf32> to vector<1x1x1xf32>
      %reduce_max3A_101 = vector.extract %reduce_max3A_100[0, 0, 0] : f32 from vector<1x1x1xf32>
      %eq3A_102 = vector.broadcast %reduce_max3A_101 : f32 to vector<128x128xf32>
      %eq3A_103 = arith.cmpf oeq, %min3A, %eq3A_102 : vector<128x128xf32>
      %jit3A = arith.constant 16384 : i32
      %broadcast_in_dim3A_104 = vector.broadcast %jit3A : i32 to vector<128x128xi32>
      %select_n3A_105 = arith.select %eq3A_103, %add3A, %broadcast_in_dim3A_104 : vector<128x128xi1>, vector<128x128xi32>
      %reduce_min3A = vector.shape_cast %select_n3A_105 : vector<128x128xi32> to vector<1x128x128xi32>
      %reduce_min3A_106 = arith.constant dense<2147483647> : vector<1xi32>
      %reduce_min3A_107 = vector.multi_reduction <minsi>, %reduce_min3A, %reduce_min3A_106 [1, 2] : vector<1x128x128xi32> to vector<1xi32>
      %reduce_min3A_108 = vector.shape_cast %reduce_min3A_107 : vector<1xi32> to vector<1x1x1xi32>
      %reduce_min3A_109 = vector.extract %reduce_min3A_108[0, 0, 0] : i32 from vector<1x1x1xi32>
      scf.yield %min3A, %reduce_min3A_109, %select_n3A : vector<128x128xf32>, i32, vector<1x128xi32>
    }
    %scan3A_26 = arith.constant 128 : i32
    %swap3A = arith.constant 0 : index
    %swap3A_27 = arith.constant 0 : index
    %swap3A_28 = arith.constant 0 : index
    %swap3A_29 = vector.load %arg7[%swap3A, %swap3A_27, %swap3A_28] : memref<1x1x128xi32, #tpu.memory_space<vmem>>, vector<1x1x128xi32>
    %swap3A_30 = vector.shape_cast %swap3A_29 : vector<1x1x128xi32> to vector<1x128xi32>
    %swap3A_31 = vector.shape_cast %scan3A_25#2 : vector<1x128xi32> to vector<1x1x128xi32>
    tpu.vector_store %arg7[%swap3A, %swap3A_27, %swap3A_28], %swap3A_31 {strides = array<i32>} : memref<1x1x128xi32, #tpu.memory_space<vmem>>, vector<1x1x128xi32>,
    %get3A_32 = arith.constant 0 : index
    %get3A_33 = arith.constant 0 : index
    %get3A_34 = vector.load %arg10[%get3A_32, %get3A_33] : memref<128x8xf32, #tpu.memory_space<vmem>>, vector<128x8xf32>
    %swap3A_35 = arith.constant 0 : index
    %swap3A_36 = arith.constant 0 : index
    %swap3A_37 = arith.constant 0 : index
    %swap3A_38 = vector.load %arg8[%swap3A_35, %swap3A_36, %swap3A_37] : memref<1x128x8xf32, #tpu.memory_space<vmem>>, vector<1x128x8xf32>
    %swap3A_39 = vector.shape_cast %swap3A_38 : vector<1x128x8xf32> to vector<128x8xf32>
    %swap3A_40 = vector.shape_cast %get3A_34 : vector<128x8xf32> to vector<1x128x8xf32>
    tpu.vector_store %arg8[%swap3A_35, %swap3A_36, %swap3A_37], %swap3A_40 {strides = array<i32>} : memref<1x128x8xf32, #tpu.memory_space<vmem>>, vector<1x128x8xf32>,
    %mul3A_41 = arith.mulf %get3A_34, %get3A_34 : vector<128x8xf32>
    %reduce_sum3A = arith.constant dense<0.000000e+00> : vector<128xf32>
    %reduce_sum3A_42 = vector.multi_reduction <add>, %mul3A_41, %reduce_sum3A [1] : vector<128x8xf32> to vector<128xf32>
    %broadcast_in_dim3A_43 = vector.shape_cast %reduce_sum3A_42 : vector<128xf32> to vector<128x1xf32>
    %scan3A_44 = arith.constant 0 : i32
    %scan3A_45 = arith.constant 2 : i32
    %scan3A_46 = arith.addi %scan3A_44, %scan3A_45 : i32
    %scan3A_47 = arith.constant 1 : i32
    scf.for %scan3A_72 = %scan3A_44 to %scan3A_46 step %scan3A_47  : i32 {
      %mul3A_73 = arith.constant 8192 : i32
      %mul3A_74 = arith.muli %scan3A_72, %mul3A_73 : i32
      %get3A_75 = arith.constant 0 : index
      %get3A_76 = arith.constant 0 : index
      %get3A_77 = arith.index_cast %mul3A_74 : i32 to index
      %get3A_78 = vector.load %arg2[%get3A_75, %get3A_76, %get3A_77] : memref<1x8x16384xf32, #tpu.memory_space<vmem>>, vector<1x8x8192xf32>
      %get3A_79 = vector.shape_cast %get3A_78 : vector<1x8x8192xf32> to vector<8x8192xf32>
      %mul3A_80 = arith.mulf %get3A_79, %get3A_79 : vector<8x8192xf32>
      %reduce_sum3A_81 = arith.constant dense<0.000000e+00> : vector<8192xf32>
      %reduce_sum3A_82 = vector.multi_reduction <add>, %mul3A_80, %reduce_sum3A_81 [0] : vector<8x8192xf32> to vector<8192xf32>
      %broadcast_in_dim3A_83 = vector.shape_cast %reduce_sum3A_82 : vector<8192xf32> to vector<1x8192xf32>
      %dot_general3A = arith.constant dense<0.000000e+00> : vector<128x8192xf32>
      %dot_general3A_84 = tpu.matmul %get3A_34, %get3A_79, %dot_general3A {dimension_numbers = #tpu.dot_dimension_numbers<[1], [0], [0], [1], [0, 0, 1, 1], [], []>, transpose_lhs_hint = false} : vector<128x8xf32>, vector<8x8192xf32>, vector<128x8192xf32> -> vector<128x8192xf32>
      %add3A_85 = vector.broadcast %broadcast_in_dim3A_43 : vector<128x1xf32> to vector<128x8192xf32>
      %add3A_86 = vector.broadcast %broadcast_in_dim3A_83 : vector<1x8192xf32> to vector<128x8192xf32>
      %add3A_87 = arith.addf %add3A_85, %add3A_86 : vector<128x8192xf32>
      %mul3A_88 = arith.constant 2.000000e+00 : f32
      %mul3A_89 = vector.broadcast %mul3A_88 : f32 to vector<128x8192xf32>
      %mul3A_90 = arith.mulf %mul3A_89, %dot_general3A_84 : vector<128x8192xf32>
      %sub3A = arith.subf %add3A_87, %mul3A_90 : vector<128x8192xf32>
      %mul3A_91 = arith.constant 8192 : i32
      %mul3A_92 = arith.muli %scan3A_72, %mul3A_91 : i32
      %swap3A_93 = arith.constant 0 : index
      %swap3A_94 = arith.index_cast %mul3A_92 : i32 to index
      %swap3A_95 = vector.load %arg9[%swap3A_93, %swap3A_94] : memref<128x16384xf32, #tpu.memory_space<vmem>>, vector<128x8192xf32>
      tpu.vector_store %arg9[%swap3A_93, %swap3A_94], %sub3A {strides = array<i32>} : memref<128x16384xf32, #tpu.memory_space<vmem>>, vector<128x8192xf32>,
    }
    %scan3A_48 = arith.constant 2 : i32
    %iota3A_49 = tpu.iota {dimensions = array<i32: 1>} : vector<1x8192xi32>
    %iota3A_50 = tpu.iota {dimensions = array<i32: 1>} : vector<1x2xi32>
    %iota3A_51 = tpu.iota {dimensions = array<i32: 1>} : vector<1x32xi32>
    %broadcast_in_dim3A_52 = arith.constant 0 : i32
    %broadcast_in_dim3A_53 = vector.broadcast %broadcast_in_dim3A_52 : i32 to vector<128x32xi32>
    %broadcast_in_dim3A_54 = arith.constant -1 : i32
    %broadcast_in_dim3A_55 = vector.broadcast %broadcast_in_dim3A_54 : i32 to vector<128x1xi32>
    %scan3A_56 = arith.constant 0 : i32
    %scan3A_57 = arith.constant 32 : i32
    %scan3A_58 = arith.addi %scan3A_56, %scan3A_57 : i32
    %scan3A_59 = arith.constant 1 : i32
    %scan3A_60:2 = scf.for %scan3A_72 = %scan3A_56 to %scan3A_58 step %scan3A_59 iter_args(%scan3A_73 = %broadcast_in_dim3A_53, %scan3A_74 = %broadcast_in_dim3A_55) -> (vector<128x32xi32>, vector<128x1xi32>)  : i32 {
      %broadcast_in_dim3A_75 = arith.constant 0x7F800000 : f32
      %broadcast_in_dim3A_76 = vector.broadcast %broadcast_in_dim3A_75 : f32 to vector<128x2xf32>
      %broadcast_in_dim3A_77 = arith.constant 16384 : i32
      %broadcast_in_dim3A_78 = vector.broadcast %broadcast_in_dim3A_77 : i32 to vector<128x2xi32>
      %scan3A_79 = arith.constant 0 : i32
      %scan3A_80 = arith.constant 2 : i32
      %scan3A_81 = arith.addi %scan3A_79, %scan3A_80 : i32
      %scan3A_82 = arith.constant 1 : i32
      %scan3A_83:2 = scf.for %scan3A_99 = %scan3A_79 to %scan3A_81 step %scan3A_82 iter_args(%scan3A_100 = %broadcast_in_dim3A_76, %scan3A_101 = %broadcast_in_dim3A_78) -> (vector<128x2xf32>, vector<128x2xi32>)  : i32 {
        %mul3A_102 = arith.constant 8192 : i32
        %mul3A_103 = arith.muli %scan3A_99, %mul3A_102 : i32
        %get3A_104 = arith.constant 0 : index
        %get3A_105 = arith.index_cast %mul3A_103 : i32 to index
        %get3A_106 = vector.load %arg9[%get3A_104, %get3A_105] : memref<128x16384xf32, #tpu.memory_space<vmem>>, vector<128x8192xf32>
        %add3A_107 = vector.broadcast %mul3A_103 : i32 to vector<1x8192xi32>
        %add3A_108 = arith.addi %iota3A_49, %add3A_107 : vector<1x8192xi32>
        %eq3A_109 = vector.broadcast %add3A_108 : vector<1x8192xi32> to vector<128x8192xi32>
        %eq3A_110 = vector.broadcast %scan3A_74 : vector<128x1xi32> to vector<128x8192xi32>
        %eq3A_111 = arith.cmpi eq, %eq3A_109, %eq3A_110 : vector<128x8192xi32>
        %jit3A_112 = arith.constant 1.000000e+30 : f32
        %broadcast_in_dim3A_113 = vector.broadcast %jit3A_112 : f32 to vector<128x8192xf32>
        %select_n3A_114 = arith.select %eq3A_111, %broadcast_in_dim3A_113, %get3A_106 : vector<128x8192xi1>, vector<128x8192xf32>
        %swap3A_115 = arith.constant 0 : index
        %swap3A_116 = arith.index_cast %mul3A_103 : i32 to index
        %swap3A_117 = vector.load %arg9[%swap3A_115, %swap3A_116] : memref<128x16384xf32, #tpu.memory_space<vmem>>, vector<128x8192xf32>
        tpu.vector_store %arg9[%swap3A_115, %swap3A_116], %select_n3A_114 {strides = array<i32>} : memref<128x16384xf32, #tpu.memory_space<vmem>>, vector<128x8192xf32>,
        %reduce_min3A_118 = arith.constant dense<0x7F800000> : vector<128xf32>
        %reduce_min3A_119 = vector.multi_reduction <minimumf>, %select_n3A_114, %reduce_min3A_118 [1] : vector<128x8192xf32> to vector<128xf32>
        %broadcast_in_dim3A_120 = vector.shape_cast %reduce_min3A_119 : vector<128xf32> to vector<128x1xf32>
        %eq3A_121 = vector.broadcast %broadcast_in_dim3A_120 : vector<128x1xf32> to vector<128x8192xf32>
        %eq3A_122 = arith.cmpf oeq, %select_n3A_114, %eq3A_121 : vector<128x8192xf32>
        %add3A_123 = vector.broadcast %mul3A_103 : i32 to vector<1x8192xi32>
        %add3A_124 = arith.addi %iota3A_49, %add3A_123 : vector<1x8192xi32>
        %jit3A_125 = arith.constant 16384 : i32
        %broadcast_in_dim3A_126 = vector.shape_cast %add3A_124 : vector<1x8192xi32> to vector<1x8192xi32>
        %broadcast_in_dim3A_127 = vector.broadcast %broadcast_in_dim3A_126 : vector<1x8192xi32> to vector<128x8192xi32>
        %broadcast_in_dim3A_128 = vector.broadcast %jit3A_125 : i32 to vector<128x8192xi32>
        %select_n3A_129 = arith.select %eq3A_122, %broadcast_in_dim3A_127, %broadcast_in_dim3A_128 : vector<128x8192xi1>, vector<128x8192xi32>
        %reduce_min3A_130 = arith.constant dense<2147483647> : vector<128xi32>
        %reduce_min3A_131 = vector.multi_reduction <minsi>, %select_n3A_129, %reduce_min3A_130 [1] : vector<128x8192xi32> to vector<128xi32>
        %broadcast_in_dim3A_132 = vector.shape_cast %reduce_min3A_131 : vector<128xi32> to vector<128x1xi32>
        %eq3A_133 = vector.broadcast %scan3A_99 : i32 to vector<1x2xi32>
        %eq3A_134 = arith.cmpi eq, %iota3A_50, %eq3A_133 : vector<1x2xi32>
        %broadcast_in_dim3A_135 = vector.shape_cast %eq3A_134 : vector<1x2xi1> to vector<1x2xi1>
        %broadcast_in_dim3A_136 = vector.broadcast %broadcast_in_dim3A_135 : vector<1x2xi1> to vector<128x2xi1>
        %broadcast_in_dim3A_137 = vector.shape_cast %broadcast_in_dim3A_120 : vector<128x1xf32> to vector<128x1xf32>
        %broadcast_in_dim3A_138 = vector.broadcast %broadcast_in_dim3A_137 : vector<128x1xf32> to vector<128x2xf32>
        %select_n3A_139 = arith.select %broadcast_in_dim3A_136, %broadcast_in_dim3A_138, %scan3A_100 : vector<128x2xi1>, vector<128x2xf32>
        %eq3A_140 = vector.broadcast %scan3A_99 : i32 to vector<1x2xi32>
        %eq3A_141 = arith.cmpi eq, %iota3A_50, %eq3A_140 : vector<1x2xi32>
        %broadcast_in_dim3A_142 = vector.shape_cast %eq3A_141 : vector<1x2xi1> to vector<1x2xi1>
        %broadcast_in_dim3A_143 = vector.broadcast %broadcast_in_dim3A_142 : vector<1x2xi1> to vector<128x2xi1>
        %broadcast_in_dim3A_144 = vector.shape_cast %broadcast_in_dim3A_132 : vector<128x1xi32> to vector<128x1xi32>
        %broadcast_in_dim3A_145 = vector.broadcast %broadcast_in_dim3A_144 : vector<128x1xi32> to vector<128x2xi32>
        %select_n3A_146 = arith.select %broadcast_in_dim3A_143, %broadcast_in_dim3A_145, %scan3A_101 : vector<128x2xi1>, vector<128x2xi32>
        scf.yield %select_n3A_139, %select_n3A_146 : vector<128x2xf32>, vector<128x2xi32>
      }
      %scan3A_84 = arith.constant 2 : i32
      %reduce_min3A = arith.constant dense<0x7F800000> : vector<128xf32>
      %reduce_min3A_85 = vector.multi_reduction <minimumf>, %scan3A_83#0, %reduce_min3A [1] : vector<128x2xf32> to vector<128xf32>
      %broadcast_in_dim3A_86 = vector.shape_cast %reduce_min3A_85 : vector<128xf32> to vector<128x1xf32>
      %eq3A = vector.broadcast %broadcast_in_dim3A_86 : vector<128x1xf32> to vector<128x2xf32>
      %eq3A_87 = arith.cmpf oeq, %scan3A_83#0, %eq3A : vector<128x2xf32>
      %jit3A = arith.constant 16384 : i32
      %broadcast_in_dim3A_88 = vector.broadcast %jit3A : i32 to vector<128x2xi32>
      %select_n3A = arith.select %eq3A_87, %scan3A_83#1, %broadcast_in_dim3A_88 : vector<128x2xi1>, vector<128x2xi32>
      %reduce_min3A_89 = arith.constant dense<2147483647> : vector<128xi32>
      %reduce_min3A_90 = vector.multi_reduction <minsi>, %select_n3A, %reduce_min3A_89 [1] : vector<128x2xi32> to vector<128xi32>
      %broadcast_in_dim3A_91 = vector.shape_cast %reduce_min3A_90 : vector<128xi32> to vector<128x1xi32>
      %eq3A_92 = vector.broadcast %scan3A_72 : i32 to vector<1x32xi32>
      %eq3A_93 = arith.cmpi eq, %iota3A_51, %eq3A_92 : vector<1x32xi32>
      %broadcast_in_dim3A_94 = vector.shape_cast %eq3A_93 : vector<1x32xi1> to vector<1x32xi1>
      %broadcast_in_dim3A_95 = vector.broadcast %broadcast_in_dim3A_94 : vector<1x32xi1> to vector<128x32xi1>
      %broadcast_in_dim3A_96 = vector.shape_cast %broadcast_in_dim3A_91 : vector<128x1xi32> to vector<128x1xi32>
      %broadcast_in_dim3A_97 = vector.broadcast %broadcast_in_dim3A_96 : vector<128x1xi32> to vector<128x32xi32>
      %select_n3A_98 = arith.select %broadcast_in_dim3A_95, %broadcast_in_dim3A_97, %scan3A_73 : vector<128x32xi1>, vector<128x32xi32>
      scf.yield %select_n3A_98, %broadcast_in_dim3A_91 : vector<128x32xi32>, vector<128x1xi32>
    }
    %scan3A_61 = arith.constant 32 : i32
    %mul3A_62 = arith.constant 16384 : i32
    %mul3A_63 = arith.muli %arg0, %mul3A_62 : i32
    %add3A_64 = vector.broadcast %mul3A_63 : i32 to vector<128x32xi32>
    %add3A_65 = arith.addi %scan3A_60#0, %add3A_64 : vector<128x32xi32>
    %swap3A_66 = arith.constant 0 : index
    %swap3A_67 = arith.constant 0 : index
    %swap3A_68 = arith.constant 0 : index
    %swap3A_69 = vector.load %arg6[%swap3A_66, %swap3A_67, %swap3A_68] : memref<1x128x32xi32, #tpu.memory_space<vmem>>, vector<1x128x32xi32>
    %swap3A_70 = vector.shape_cast %swap3A_69 : vector<1x128x32xi32> to vector<128x32xi32>
    %swap3A_71 = vector.shape_cast %add3A_65 : vector<128x32xi32> to vector<1x128x32xi32>
    tpu.vector_store %arg6[%swap3A_66, %swap3A_67, %swap3A_68], %swap3A_71 {strides = array<i32>} : memref<1x128x32xi32, #tpu.memory_space<vmem>>, vector<1x128x32xi32>,
    return
  }
  func.func @transform_0(%arg0: i32) -> (i32, i32, i32) {
    %c0_i32 = arith.constant 0 : i32
    %c0_i32_0 = arith.constant 0 : i32
    %c0_i32_1 = arith.constant 0 : i32
    return %arg0, %c0_i32, %c0_i32_0 : i32, i32, i32
  }
  func.func @transform_1(%arg0: i32) -> (i32, i32, i32) {
    %c0_i32 = arith.constant 0 : i32
    %c0_i32_0 = arith.constant 0 : i32
    %c0_i32_1 = arith.constant 0 : i32
    return %arg0, %c0_i32, %c0_i32_0 : i32, i32, i32
  }
  func.func @transform_2(%arg0: i32) -> (i32, i32, i32) {
    %c0_i32 = arith.constant 0 : i32
    %c0_i32_0 = arith.constant 0 : i32
    %c0_i32_1 = arith.constant 0 : i32
    return %arg0, %c0_i32, %c0_i32_0 : i32, i32, i32
  }
  func.func @transform_3(%arg0: i32) -> (i32, i32, i32) {
    %c0_i32 = arith.constant 0 : i32
    %c0_i32_0 = arith.constant 0 : i32
    %c0_i32_1 = arith.constant 0 : i32
    return %arg0, %c0_i32, %c0_i32_0 : i32, i32, i32
  }
  func.func @transform_4(%arg0: i32) -> (i32, i32, i32) {
    %c0_i32 = arith.constant 0 : i32
    %c0_i32_0 = arith.constant 0 : i32
    %c0_i32_1 = arith.constant 0 : i32
    return %arg0, %c0_i32, %c0_i32_0 : i32, i32, i32
  }
  func.func @transform_5(%arg0: i32) -> (i32, i32, i32) {
    %c0_i32 = arith.constant 0 : i32
    %c0_i32_0 = arith.constant 0 : i32
    %c0_i32_1 = arith.constant 0 : i32
    return %arg0, %c0_i32, %c0_i32_0 : i32, i32, i32
  }
  func.func @transform_6(%arg0: i32) -> (i32, i32, i32) {
    %c0_i32 = arith.constant 0 : i32
    %c0_i32_0 = arith.constant 0 : i32
    %c0_i32_1 = arith.constant 0 : i32
    return %arg0, %c0_i32, %c0_i32_0 : i32, i32, i32
  }
  func.func @transform_7(%arg0: i32) -> (i32, i32, i32) {
    %c0_i32 = arith.constant 0 : i32
    %c0_i32_0 = arith.constant 0 : i32
    %c0_i32_1 = arith.constant 0 : i32
    return %arg0, %c0_i32, %c0_i32_0 : i32, i32, i32
  }
}

</mosaic_0001>

<sc_bundles>
// kernel: kernel.4.cloned.1.call-start
scs
__scs_entry_jumppad:
0x0: {  	(pc) =	sbr.rel $0x88, $3  }
0x1: {  	(tag) =	ssettag $0x0;
	lr =	simm.s32 $0x1  }
0x2: {  	[smem:$0x3FA0] =	sst lr;
	_ =	strace $0xD0000000  }
0x3: {  	_ = 	snop  }
0x4: {  	_ = 	snop  }
0x5: {  	_ = 	snop  }
0x6: {  	_ = 	snop  }
0x7: {  	_ = 	snop  }
__scs_overlays_trampoline_lowered:
0x8: {  	[smem:$0x3FAF] =	sst s0  }
0x9: {  	[smem:$0x3FB0] =	sst s1  }
0xa: {  	[smem:$0x3FB1] =	sst s2  }
0xb: {  	[smem:$0x3FB2] =	sst s3  }
0xc: {  	[smem:$0x3FB3] =	sst s4  }
0xd: {  	[smem:$0x3FB4] =	sst s5  }
0xe: {  	[smem:$0x3FB5] =	sst s6  }
0xf: {  	[smem:$0x3FB6] =	sst s7  }
0x10: {  	[smem:$0x3FB7] =	sst s8  }
0x11: {  	[smem:$0x3FB8] =	sst s9;
	s0 =	simm.s32 @!p0 $0x0  }
0x12: {  	s1 =	sld [smem:$0x3F9E];
	s0 =	simm.s32 @p0 $0x1  }
0x13: {  	[smem:$0x3FB9] =	sst s0;
	s0 =	simm.s32 @!p1 $0x0  }
0x14: {  	s2 =	sld [smem:$0x3F9D];
	s0 =	simm.s32 @p1 $0x1  }
0x15: {  	[smem:$0x3FBA] =	sst s0;
	s0 =	simm.s32 @!p2 $0x0  }
0x16: {  	s3 =	sld [smem:$0x3FDB];
	s0 =	simm.s32 @p2 $0x1  }
0x17: {  	s4 =	simm.s32 $0x1BF5;
	[smem:$0x3FBC] =	sst s0  }
0x18: {  	s0 =	sld [smem:$0x3F9F];
	_ =	swait.ge [sflag:s4], $0x0  }
0x19: {  	s7 =	sld [smem:$0x3FA0]  }
0x1a: {  	s8 =	sadd.s32 $0xFFFFE003, lr  }
0x1b: {  	s9 =	sadd.s32 $0xFFFFFEF7, lr;
	s5 =	simm.s32 $0xFFFFFFFF;
	p2 =	slt.u32 s8, $0xFFFFF086  }
0x1c: {  	p1 =	slt.u32 s9, $0xF7A;
	s5 =	simm.s32 @!p2 $0x0  }
0x1d: {  	s5 =	simm.s32 @p1 $0x1;
	p0 =	seq.s32 s7, s2  }
0x1e: {  	s7 =	smul.u32 @!p0 $0xF7A, s2;
	p2 =	seq.s32 @!p0 s5, $0x0  }
0x1f: {  	s9 =	smul.u32 $0xF7A, s1;
	s8 =	simm.s32 @!p0 $0x1BF5;
	p2 =	por !p2, p0  }
0x20: {  	[sflag:s8] =	ssyncset.s32 @!p0 $0xFFFFF086;
	s6 =	sadd.s32 @!p0 s3, s7;
	s7 =	simm.s32 @!p0 $0x108  }
0x21: {  	s3 =	sadd.s32 s3, s9;
	s6 =	sadd.s32 @!p0 $0x88, s6;
	s7 =	simm.s32 @p2 $0x1082  }
0x22: {  	[simem:s7], [sflag:s8] =	dma.local @!p0 [hbm:s6], $0xF7A  }
0x23: {  	s9 =	sor.u32 $0xD0000000, s2;
	s6 =	simm.s32 $0x108;
	_ =	swait.ge @!p0 [sflag:s8], $0x0  }
0x24: {  	s3 =	sadd.s32 $0x88, s3;
	s6 =	simm.s32 @!p1 $0x1082;
	[sflag:s4] =	ssyncset.s32 $0xFFFFF086  }
0x25: {  	[simem:s6], [sflag:s4] =	dma.local [hbm:s3], $0xF7A  }
0x26: {  	[smem:$0x3FA0] =	sst s1;
	(tag) =	ssettag s2;
	_ =	strace s9  }
0x27: {  	s1 =	sld [smem:$0x3FB0]  }
0x28: {  	s2 =	sld [smem:$0x3FB1]  }
0x29: {  	s4 =	sld [smem:$0x3FB3]  }
0x2a: {  	p0 =	seq.s32 s5, $0x0;
	s5 =	sld [smem:$0x3FB4]  }
0x2b: {  	s6 =	sld [smem:$0x3FB5]  }
0x2c: {  	s7 =	sld [smem:$0x3FB6]  }
0x2d: {  	s3 =	simm.s32 $0x108;
	s8 =	sld [smem:$0x3FB7]  }
0x2e: {  	s3 =	simm.s32 @!p0 $0x1082;
	s9 =	sld [smem:$0x3FB8]  }
0x2f: {  	lr =	sadd.s32 s0, s3;
	s0 =	sld [smem:$0x3FAF]  }
0x30: {  	s3 =	sld [smem:$0x3FB2]  }
0x31: {  	[smem:$0x3FBB] =	sst s10  }
0x32: {  	s10 =	sld [smem:$0x3FB9];
	_ =	sdelay $0x3  }
0x33: {  	p0 =	seq.s32 s10, $0x1;
	s10 =	sld [smem:$0x3FBB];
	_ =	sdelay $0x3  }
0x34: {  	[smem:$0x3FBB] =	sst s10  }
0x35: {  	s10 =	sld [smem:$0x3FBA];
	_ =	sdelay $0x3  }
0x36: {  	p1 =	seq.s32 s10, $0x1;
	s10 =	sld [smem:$0x3FBB];
	_ =	sdelay $0x3  }
0x37: {  	[smem:$0x3FBB] =	sst s10  }
0x38: {  	s10 =	sld [smem:$0x3FBC]  }
0x39: {  	_ = 	snop;
	(pc) =	sbr.ind lr, $3  }
0x3a: {  	_ = 	snop  }
0x3b: {  	_ = 	snop  }
0x3c: {  	p2 =	seq.s32 s10, $0x1;
	s10 =	sld [smem:$0x3FBB]  }
0x3d: {  	_ =	shalt  }
0x3e: {  	_ =	shalt  }
0x3f: {  	_ =	shalt  }
0x40: {  	_ =	shalt  }
0x41: {  	_ =	shalt  }
0x42: {  	_ =	shalt  }
0x43: {  	_ =	shalt  }
0x44: {  	_ =	shalt  }
0x45: {  	_ =	shalt  }
0x46: {  	_ =	shalt  }
0x47: {  	_ =	shalt  }
0x48: {  	_ =	shalt  }
0x49: {  	_ =	shalt  }
0x4a: {  	_ =	shalt  }
0x4b: {  	_ =	shalt  }
0x4c: {  	_ =	shalt  }
0x4d: {  	_ =	shalt  }
0x4e: {  	_ =	shalt  }
0x4f: {  	_ =	shalt  }
0x50: {  	_ =	shalt  }
0x51: {  	_ =	shalt  }
0x52: {  	_ =	shalt  }
0x53: {  	_ =	shalt  }
0x54: {  	_ =	shalt  }
0x55: {  	_ =	shalt  }
0x56: {  	_ =	shalt  }
0x57: {  	_ =	shalt  }
0x58: {  	_ =	shalt  }
0x59: {  	_ =	shalt  }
0x5a: {  	_ =	shalt  }
0x5b: {  	_ =	shalt  }
0x5c: {  	_ =	shalt  }
0x5d: {  	_ =	shalt  }
0x5e: {  	_ =	shalt  }
0x5f: {  	_ =	shalt  }
0x60: {  	_ =	shalt  }
0x61: {  	_ =	shalt  }
0x62: {  	_ =	shalt  }
0x63: {  	_ =	shalt  }
0x64: {  	_ =	shalt  }
0x65: {  	_ =	shalt  }
0x66: {  	_ =	shalt  }
0x67: {  	_ =	shalt  }
0x68: {  	_ =	shalt  }
0x69: {  	_ =	shalt  }
0x6a: {  	_ =	shalt  }
0x6b: {  	_ =	shalt  }
0x6c: {  	_ =	shalt  }
0x6d: {  	_ =	shalt  }
0x6e: {  	_ =	shalt  }
0x6f: {  	_ =	shalt  }
0x70: {  	_ =	shalt  }
0x71: {  	_ =	shalt  }
0x72: {  	_ =	shalt  }
0x73: {  	_ =	shalt  }
0x74: {  	_ =	shalt  }
0x75: {  	_ =	shalt  }
0x76: {  	_ =	shalt  }
0x77: {  	_ =	shalt  }
0x78: {  	_ =	shalt  }
0x79: {  	_ =	shalt  }
0x7a: {  	_ =	shalt  }
0x7b: {  	_ =	shalt  }
0x7c: {  	_ =	shalt  }
0x7d: {  	_ =	shalt  }
0x7e: {  	_ =	shalt  }
0x7f: {  	_ =	shalt  }
0x80: {  	_ =	shalt  }
0x81: {  	_ =	shalt  }
0x82: {  	_ =	shalt  }
0x83: {  	_ =	shalt  }
0x84: {  	_ =	shalt  }
0x85: {  	_ =	shalt  }
0x86: {  	_ =	shalt  }
0x87: {  	_ =	shalt  }
.Lfunc_end0:
.L_simem_size_0:
called_computation_lowered:
.L_overlay_start_0:
0x88: {  	s2 =	sld [smem:$0x3FD9]  }
0x89: {  	s3 =	sld [smem:$0x3FFE];
	_ =	sdelay $0x1  }
0x8a: {  	s1 =	srdreg.scid  }
0x8b: {  	s0 =	sand.u32 $0x1, s1  }
0x8c: {  	s14 =	sshll.u32 s0, $0xA;
	s2 =	sadd.s32 s3, s2  }
0x8d: {  	s2 =	sadd.s32 s2, s14  }
0x8e: {  	[smem:$0x3FC7] =	sst s2  }
0x8f: {  	_ = 	snop  }
0x90: {  	s2 =	sld [smem:$0x3FD0];
	_ =	sdelay $0x2  }
0x91: {  	s15 =	simm.s32 $0xA;
	s4 =	simm.s32 $0x10  }
0x92: {  	[smem:s4], [sflag:s15] =	dma.local [hbm:s2], $0x1  }
0x93: {  	_ =	swait.eq [sflag:s15], $0x1  }
0x94: {  	[sflag:s15] =	ssyncset.done $0x0  }
0x95: {  	[sflag:s15] =	ssyncadd.s32 $0xFFFFFFFF  }
0x96: {  	s16 =	sld [smem:$0x10];
	(tm) =	ssettm $0x1  }
0x97: {  	s17 =	sld [smem:$0x3FFB];
	_ =	sdelay $0x3  }
0x98: {  	_ =	strace s17  }
0x99: {  	s3 =	sld [smem:$0x3FFC];
	_ =	sdelay $0x3  }
0x9a: {  	_ =	strace s3  }
0x9b: {  	s3 =	sld [smem:$0x3FFD];
	_ =	sdelay $0x3  }
0x9c: {  	_ =	strace s3  }
0x9d: {  	_ =	strace $0x8FFFFFFF  }
0x9e: {  	s18 =	sld [smem:$0x3FDB];
	_ =	sdelay $0x1  }
0x9f: {  	s19 =	simm.s32 $_scs_section_size  }
0xa0: {  	s5 =	simm.s32 $_size__tile_overlayer_lowered;
	s6 =	simm.s32 $_tile_overlayer_lowered  }
0xa1: {  	s22 =	simm.s32 $0x1BFF;
	s21 =	sshll.u32 s6, $0x1;
	s3 =	sadd.s32 s19, s18  }
0xa2: {  	s7 =	simm.s32 $0x0;
	s20 =	sshll.u32 s5, $0x1;
	s5 =	sadd.s32 s21, s3  }
0xa3: {  	[timem:s7], [sflag:s22] =	dma.local [hbm:s5], s20  }
0xa4: {  	_ =	swait.ge [sflag:s22], s20  }
0xa5: {  	s4 =	ssub.s32 $0x0, s20;
	[sflag:s22] =	ssyncset.done $0x0  }
0xa6: {  	[sflag:s22] =	ssyncadd.s32 s4;
	_ =	sdelay $0x1  }
0xa7: {  	s23 =	simm.s32 $0x1B8B  }
0xa8: {  	_ =	swait.ge [sflag:s23], $0x1  }
0xa9: {  	[sflag:s23] =	ssyncset.done $0x0  }
0xaa: {  	s25 =	simm.s32 $0x1B8E;
	s24 =	sld [smem:$0x3FFE];
	[sflag:s23] =	ssyncadd.s32 $0xFFFFFFFF  }
0xab: {  	s26 =	simm.s32 $execute0_lowered;
	[smem:$0x3FD2] =	sst s25  }
0xac: {  	s5 =	sshll.u32 s26, $0x1;
	_ =	strace $0x80000046;
	[dreg:$0x1] =	wrdreg $0xFFFFFFFF  }
0xad: {  	s28 =	simm.s32 $_size_execute0_lowered;
	s3 =	sadd.s32 s3, s5;
	[dreg:$0x0] =	wrdreg $0x0  }
0xae: {  	s5 =	sshll.u32 s28, $0x1;
	[dreg:$0x2] =	wrdreg s3  }
0xaf: {  	[dreg:$0x3] =	wrdreg s5  }
0xb0: {  	[dreg:$0x4] =	wrdreg $0xC0  }
0xb1: {  	_ =	task [dreg:s7], $0x5FFFF  }
0xb2: {  	[dreg:$0x1] =	wrdreg $0xFFFFFFFF  }
0xb3: {  	[dreg:$0x0] =	wrdreg $0x60  }
0xb4: {  	[dreg:$0x2] =	wrdreg s24  }
0xb5: {  	[dreg:$0x3] =	wrdreg s16  }
0xb6: {  	[dreg:$0x4] =	wrdreg $0x9  }
0xb7: {  	_ =	task.clear_ibuf [dreg:s7], $0x5FFFF;
	_ =	strace $0x90000046  }
0xb8: {  	s29 =	simm.s32 $0x9;
	_ =	strace $0x80000048  }
0xb9: {  	_ =	swait.ge [sflag:s29], $0x1  }
0xba: {  	[sflag:s29] =	ssyncadd.s32 $0xFFFFFFFF  }
0xbb: {  	_ =	strace $0x90000048  }
0xbc: {  	_ =	sfence  }
0xbd: {  	s30 =	sld [smem:$0x0];
	_ =	sdelay $0x2  }
0xbe: {  	s31 =	sshll.u32 s1, $0xD;
	s1 =	sshrl.u32 s1, $0x2  }
0xbf: {  	s3 =	sand.u32 $0x4000, s31;
	s1 =	sadd.s32 s1, s30  }
0xc0: {  	s0 =	sor.u32 s3, s0;
	s1 =	sshll.u32 s1, $0x11  }
0xc1: {  	s0 =	sor.u32 s1, s0  }
0xc2: {  	s0 =	sadd.s32 $0x8F2B, s0  }
0xc3: {  	[sflag:s0] =	ssyncadd.remote.s32 $0x1  }
0xc4: {  	_ =	sfence.sel $0xFFFF  }
0xc5: {  	[dreg:$0x0] =	wrdreg $0xFFFFFFFF;
	(pc) =	sbr.abs _section_cstart, $3  }
0xc6: {  	[dreg:$0x1] =	wrdreg $0xFFFFFFFF  }
0xc7: {  	_ =	task.clear_ibuf [dreg:s7], $0x2FFFF;
	_ =	strace $0x9FFFFFFF  }
0xc8: {  	(tm) =	ssettm $0x7FFFFFFF  }
0xc9: {  	_ =	shalt  }
tec
execute0_lowered:
.L_overlay_start_1:
0x0: {  	(tag) =	ssettag $0x1  }
0x1: {  	s0 =	rddreg [dreg:$0x0]  }
0x2: {  	s1 =	rddreg [dreg:$0x1]  }
0x3: {  	s2 =	simm.s32 $0x0;
	s3 =	srdreg.scid;
	s5 =	stileid.u32  }
0x4: {  	s10 =	simm.s32 $0x80;
	s11 =	simm.s32 $0x800;
	s28 =	simm.s32 $0x480  }
0x5: {  	s29 =	simm.s32 $0x5000;
	s30 =	simm.s32 $0x500;
	s31 =	simm.s32 $0x5800  }
0x6: {  	s9 =	simm.s32 $0x600;
	s12 =	simm.s32 $0x6800;
	s13 =	simm.s32 $0x680  }
0x7: {  	s14 =	simm.s32 $0x7000;
	s15 =	simm.s32 $0x700;
	s16 =	simm.s32 $0x7800  }
0x8: {  	s17 =	simm.s32 $0x780;
	s18 =	simm.s32 $0x8000;
	s19 =	simm.s32 $0x1  }
0x9: {  	s20 =	simm.s32 $0x0;
	s4 =	sand.u32 $0x1, s3;
	s24 =	sshll.u32 s5, $0x1  }
0xa: {  	[smem:$0x7FF] =	sst s2;
	s3 =	sadd.s32 $0x402C00, s0;
	s5 =	sor.u32 s4, s24  }
0xb: {  	_ =	strace $0x80000047;
	s4 =	ssub.s32 $0x2, s4;
	s6 =	sshll.u32 s5, $0x7  }
0xc: {  	s7 =	sshll.u32 s5, $0xC;
	s8 =	sshrl.u32 s4, $0x1;
	s26 =	sshll.u32 s5, $0x8  }
0xd: {  	s6 =	sadd.s32 s6, s0;
	s0 =	sadd.s32 s7, s0;
	s25 =	ssub.s32 s4, s8  }
0xe: {  	s4 =	sadd.s32 s1, s26;
	s8 =	simm.s32 $0x2;
	s26 =	simm.s32 $0x4800  }
0xf: {  	s1 =	simm.s32 $0x6000;
	s5 =	sadd.s32 $0x1C00, s6;
	s6 =	sadd.s32 $0x2C00, s0  }
0x10: {  	vm0 =	vmmov $0x7;
	s7 =	smax.u32 s25, $0x1;
	s25 =	simm.s32 $0x400;
	s0 =	simm.s32 $0x580  }
.LBB2_1:
0x11: {  	[tilespmem:s2], [sflag:$0x2] =	stream.linear.gather [hbm4b:s4+s2], $0x800, $0x38;
	[tilespmem:$0x8C00] =	vst v63  }
0x12: {  	_ =	swait.ge [sflag:s8], $0x800  }
0x13: {  	[sflag:s8] =	ssyncset.done $0x0  }
0x14: {  	s21 =	simm.s32 $0x8800;
	[sflag:s8] =	ssyncadd.s32 $0xFFFFF800  }
0x15: {  	[tilespmem:s21], [sflag:$0x2] =	stream.linear.gather [hbm4b:s5+s2], $0x400, $0x38;
	[tilespmem:$0x8C00] =	vst v63  }
0x16: {  	_ =	swait.ge [sflag:s8], $0x400  }
0x17: {  	[sflag:s8] =	ssyncset.done $0x0  }
0x18: {  	[sflag:s8] =	ssyncadd.s32 $0xFFFFFC00  }
0x19: {  	[tilespmem:s11], [sflag:$0x1] =	stream.indirect.gather [hbm4b:s3+s10], $0x10, s2, s10, $0xb8;
	[tilespmem:$0x8C00] =	vst v63  }
0x1a: {  	s23 =	simm.s32 $0x1000  }
0x1b: {  	[tilespmem:s23], [sflag:$0x1] =	stream.indirect.gather [hbm4b:s3+s10], $0x10, s10, s10, $0xb8;
	[tilespmem:$0x8C00] =	vst v63  }
0x1c: {  	s24 =	simm.s32 $0x100;
	s22 =	simm.s32 $0x1800  }
0x1d: {  	[tilespmem:s22], [sflag:$0x1] =	stream.indirect.gather [hbm4b:s3+s10], $0x10, s24, s10, $0xb8;
	[tilespmem:$0x8C00] =	vst v63  }
0x1e: {  	s23 =	simm.s32 $0x180;
	s24 =	simm.s32 $0x2000  }
0x1f: {  	[tilespmem:s24], [sflag:$0x1] =	stream.indirect.gather [hbm4b:s3+s10], $0x10, s23, s10, $0xb8;
	[tilespmem:$0x8C00] =	vst v63  }
0x20: {  	s23 =	simm.s32 $0x200;
	s24 =	simm.s32 $0x2800  }
0x21: {  	[tilespmem:s24], [sflag:$0x1] =	stream.indirect.gather [hbm4b:s3+s10], $0x10, s23, s10, $0xb8;
	[tilespmem:$0x8C00] =	vst v63  }
0x22: {  	s23 =	simm.s32 $0x280;
	s24 =	simm.s32 $0x3000  }
0x23: {  	[tilespmem:s24], [sflag:$0x1] =	stream.indirect.gather [hbm4b:s3+s10], $0x10, s23, s10, $0xb8;
	[tilespmem:$0x8C00] =	vst v63  }
0x24: {  	s23 =	simm.s32 $0x300;
	s24 =	simm.s32 $0x3800  }
0x25: {  	[tilespmem:s24], [sflag:$0x1] =	stream.indirect.gather [hbm4b:s3+s10], $0x10, s23, s10, $0xb8;
	[tilespmem:$0x8C00] =	vst v63  }
0x26: {  	s22 =	simm.s32 $0x380;
	s23 =	simm.s32 $0x4000  }
0x27: {  	[tilespmem:s23], [sflag:$0x1] =	stream.indirect.gather [hbm4b:s3+s10], $0x10, s22, s10, $0xb8;
	[tilespmem:$0x8C00] =	vst v63  }
0x28: {  	_ = 	snop  }
0x29: {  	[tilespmem:s26], [sflag:$0x1] =	stream.indirect.gather [hbm4b:s3+s10], $0x10, s25, s10, $0xb8;
	[tilespmem:$0x8C00] =	vst v63  }
0x2a: {  	_ = 	snop  }
0x2b: {  	[tilespmem:s29], [sflag:$0x1] =	stream.indirect.gather [hbm4b:s3+s10], $0x10, s28, s10, $0xb8;
	[tilespmem:$0x8C00] =	vst v63  }
0x2c: {  	_ = 	snop  }
0x2d: {  	[tilespmem:s31], [sflag:$0x1] =	stream.indirect.gather [hbm4b:s3+s10], $0x10, s30, s10, $0xb8;
	[tilespmem:$0x8C00] =	vst v63  }
0x2e: {  	_ = 	snop  }
0x2f: {  	[tilespmem:s1], [sflag:$0x1] =	stream.indirect.gather [hbm4b:s3+s10], $0x10, s0, s10, $0xb8;
	[tilespmem:$0x8C00] =	vst v63  }
0x30: {  	_ = 	snop  }
0x31: {  	[tilespmem:s12], [sflag:$0x1] =	stream.indirect.gather [hbm4b:s3+s10], $0x10, s9, s10, $0xb8;
	[tilespmem:$0x8C00] =	vst v63  }
0x32: {  	_ = 	snop  }
0x33: {  	[tilespmem:s14], [sflag:$0x1] =	stream.indirect.gather [hbm4b:s3+s10], $0x10, s13, s10, $0xb8;
	[tilespmem:$0x8C00] =	vst v63  }
0x34: {  	_ = 	snop  }
0x35: {  	[tilespmem:s16], [sflag:$0x1] =	stream.indirect.gather [hbm4b:s3+s10], $0x10, s15, s10, $0xb8;
	[tilespmem:$0x8C00] =	vst v63  }
0x36: {  	_ = 	snop  }
0x37: {  	[tilespmem:s18], [sflag:$0x1] =	stream.indirect.gather [hbm4b:s3+s10], $0x10, s17, s10, $0xb8;
	[tilespmem:$0x8C00] =	vst v63  }
0x38: {  	_ =	swait.ge [sflag:s19], $0x800  }
0x39: {  	[sflag:s19] =	ssyncset.done $0x0  }
0x3a: {  	[sflag:s19] =	ssyncadd.s32 $0xFFFFF800  }
0x3b: {  	_ =	swait.ge [sflag:s19], $0x800  }
0x3c: {  	[sflag:s19] =	ssyncset.done $0x0  }
0x3d: {  	[sflag:s19] =	ssyncadd.s32 $0xFFFFF800  }
0x3e: {  	_ =	swait.ge [sflag:s19], $0x800  }
0x3f: {  	[sflag:s19] =	ssyncset.done $0x0  }
0x40: {  	[sflag:s19] =	ssyncadd.s32 $0xFFFFF800  }
0x41: {  	_ =	swait.ge [sflag:s19], $0x800  }
0x42: {  	[sflag:s19] =	ssyncset.done $0x0  }
0x43: {  	[sflag:s19] =	ssyncadd.s32 $0xFFFFF800  }
0x44: {  	_ =	swait.ge [sflag:s19], $0x800  }
0x45: {  	[sflag:s19] =	ssyncset.done $0x0  }
0x46: {  	[sflag:s19] =	ssyncadd.s32 $0xFFFFF800  }
0x47: {  	_ =	swait.ge [sflag:s19], $0x800  }
0x48: {  	[sflag:s19] =	ssyncset.done $0x0  }
0x49: {  	[sflag:s19] =	ssyncadd.s32 $0xFFFFF800  }
0x4a: {  	_ =	swait.ge [sflag:s19], $0x800  }
0x4b: {  	[sflag:s19] =	ssyncset.done $0x0  }
0x4c: {  	[sflag:s19] =	ssyncadd.s32 $0xFFFFF800  }
0x4d: {  	_ =	swait.ge [sflag:s19], $0x800  }
0x4e: {  	[sflag:s19] =	ssyncset.done $0x0  }
0x4f: {  	[sflag:s19] =	ssyncadd.s32 $0xFFFFF800  }
0x50: {  	_ =	swait.ge [sflag:s19], $0x800  }
0x51: {  	[sflag:s19] =	ssyncset.done $0x0  }
0x52: {  	[sflag:s19] =	ssyncadd.s32 $0xFFFFF800  }
0x53: {  	_ =	swait.ge [sflag:s19], $0x800  }
0x54: {  	[sflag:s19] =	ssyncset.done $0x0  }
0x55: {  	[sflag:s19] =	ssyncadd.s32 $0xFFFFF800  }
0x56: {  	_ =	swait.ge [sflag:s19], $0x800  }
0x57: {  	[sflag:s19] =	ssyncset.done $0x0  }
0x58: {  	[sflag:s19] =	ssyncadd.s32 $0xFFFFF800  }
0x59: {  	_ =	swait.ge [sflag:s19], $0x800  }
0x5a: {  	[sflag:s19] =	ssyncset.done $0x0  }
0x5b: {  	[sflag:s19] =	ssyncadd.s32 $0xFFFFF800  }
0x5c: {  	_ =	swait.ge [sflag:s19], $0x800  }
0x5d: {  	[sflag:s19] =	ssyncset.done $0x0  }
0x5e: {  	[sflag:s19] =	ssyncadd.s32 $0xFFFFF800  }
0x5f: {  	_ =	swait.ge [sflag:s19], $0x800  }
0x60: {  	[sflag:s19] =	ssyncset.done $0x0  }
0x61: {  	[sflag:s19] =	ssyncadd.s32 $0xFFFFF800  }
0x62: {  	_ =	swait.ge [sflag:s19], $0x800  }
0x63: {  	[sflag:s19] =	ssyncset.done $0x0  }
0x64: {  	[sflag:s19] =	ssyncadd.s32 $0xFFFFF800  }
0x65: {  	_ =	swait.ge [sflag:s19], $0x800  }
0x66: {  	[sflag:s19] =	ssyncset.done $0x0  }
0x67: {  	s21 =	simm.s32 $0x900;
	[sflag:s19] =	ssyncadd.s32 $0xFFFFF800  }
0x68: {  	v1 =	vld [tilespmem:s21+$0x70]  }
0x69: {  	v0 =	vld [tilespmem:s21+$0xFFFFFFF0]  }
0x6a: {  	v10 =	vld [tilespmem:s21+$0x90]  }
0x6b: {  	v17 =	vld [tilespmem:s21+$0xF0]  }
0x6c: {  	v6 =	vld [tilespmem:s21+$0x60]  }
0x6d: {  	v11 =	vld [tilespmem:s21+$0xA0]  }
0x6e: {  	v13 =	vld [tilespmem:s21+$0xB0]  }
0x6f: {  	v22 =	vld [tilespmem:s21+$0xD0]  }
0x70: {  	v14 =	vld [tilespmem:s21+$0xFFFFFF00]  }
0x71: {  	v2 =	vld [tilespmem:s21+$0x50]  }
0x72: {  	v5 =	vld [tilespmem:s21+$0xFFFFFF80]  }
0x73: {  	v8 =	vld [tilespmem:s21+$0x80]  }
0x74: {  	v15 =	vld [tilespmem:s21+$0xE0]  }
0x75: {  	v12 =	vld [tilespmem:s21+$0xFFFFFF70]  }
0x76: {  	v3 =	vld [tilespmem:s21+$0x40]  }
0x77: {  	s24 =	simm.s32 $0x0;
	v9 =	vld [tilespmem:s21+$0xFFFFFFC0]  }
0x78: {  	v4 =	vld [tilespmem:s24+$0x8800]  }
0x79: {  	v7 =	vld [tilespmem:s21+$0xFFFFFFE0]  }
0x7a: {  	v19 =	vld [tilespmem:s21+$0xFFFFFF20]  }
0x7b: {  	v20 =	vld [tilespmem:s21+$0xFFFFFF10]  }
0x7c: {  	v16 =	vld [tilespmem:s21+$0xFFFFFF30]  }
0x7d: {  	v18 =	vld [tilespmem:s21+$0xC0];
	v4 =	vnsel vm0, $0x0, v4  }
0x7e: {  	v21 =	vsub.f32 v14, v4;
	v14 =	vld [tilespmem:s21+$0xFFFFFF40];
	v23 =	vsub.f32 v17, v4  }
0x7f: {  	s22 =	simm.s32 $0x40;
	s23 =	simm.s32 $0x900;
	v17 =	vsub.f32 v19, v4;
	v19 =	vld [tilespmem:s21+$0xFFFFFF60];
	v22 =	vsub.f32 v22, v4  }
.LBB2_2:
0x80: {  	p0 =	sne.s32 s22, $0xFC0  }
0x81: {  	v20 =	vsub.f32 v20, v4;
	v24 =	vld [tilespmem:s21+$0xFFFFFFD0];
	v13 =	vsub.f32 v13, v4;
	[tilespmem:s21+$0xF0] =	vst v23;
	s23 =	sadd.s32 $0x200, s23;
	s24 =	smov.u32 s22;
	s22 =	sadd.s32 $0x40, s22  }
0x82: {  	v15 =	vsub.f32 v15, v4;
	[tilespmem:s21+$0xFFFFFF00] =	vst v21;
	v16 =	vsub.f32 v16, v4;
	v21 =	vld [tilespmem:s21+$0xFFFFFFA0]  }
0x83: {  	v10 =	vsub.f32 v10, v4;
	v23 =	vld [tilespmem:s21+$0xFFFFFF50];
	v18 =	vsub.f32 v18, v4;
	[tilespmem:s21+$0xD0] =	vst v22  }
0x84: {  	v11 =	vsub.f32 v11, v4;
	v14 =	vsub.f32 v14, v4;
	v22 =	vld [tilespmem:s21+$0xFFFFFF90];
	[tilespmem:s21+$0xB0] =	vst v13  }
0x85: {  	v12 =	vsub.f32 v12, v4;
	v13 =	vsub.f32 v19, v4;
	v19 =	vld [tilespmem:s21+$0x0];
	[tilespmem:s21+$0x90] =	vst v10  }
0x86: {  	v5 =	vsub.f32 v5, v4;
	v1 =	vsub.f32 v1, v4;
	v10 =	vld [tilespmem:s21+$0x20];
	[tilespmem:s21+$0xE0] =	vst v15  }
0x87: {  	v6 =	vsub.f32 v6, v4;
	v21 =	vsub.f32 v21, v4;
	v15 =	vld [tilespmem:s21+$0x10];
	[tilespmem:s21+$0xA0] =	vst v11  }
0x88: {  	v8 =	vsub.f32 v8, v4;
	[tilespmem:s21+$0xFFFFFF20] =	vst v17;
	v17 =	vsub.f32 v23, v4;
	v11 =	vld [tilespmem:s21+$0x30]  }
0x89: {  	v9 =	vsub.f32 v9, v4;
	v22 =	vsub.f32 v22, v4;
	v23 =	vld [tilespmem:s21+$0xFFFFFFB0];
	[tilespmem:s21+$0x70] =	vst v1  }
0x8a: {  	v7 =	vsub.f32 v7, v4;
	v24 =	vsub.f32 v24, v4;
	v1 =	vld [tilespmem:s23+$0x70];
	[tilespmem:s21+$0x60] =	vst v6  }
0x8b: {  	v19 =	vsub.f32 v19, v4;
	[tilespmem:s21+$0xFFFFFF70] =	vst v12;
	v12 =	vsub.f32 v0, v4  }
0x8c: {  	v26 =	vsub.f32 v10, v4;
	v25 =	vsub.f32 v15, v4;
	[tilespmem:s21+$0x80] =	vst v8  }
0x8d: {  	v3 =	vsub.f32 v3, v4;
	[tilespmem:s21+$0xFFFFFF10] =	vst v20;
	v8 =	vsub.f32 v11, v4  }
0x8e: {  	v2 =	vsub.f32 v2, v4;
	v15 =	vsub.f32 v23, v4;
	[tilespmem:s21+$0xC0] =	vst v18  }
0x8f: {  	[tilespmem:s21+$0xFFFFFF60] =	vst v13  }
0x90: {  	[tilespmem:s21+$0xFFFFFFC0] =	vst v9  }
0x91: {  	[tilespmem:s21+$0xFFFFFF30] =	vst v16  }
0x92: {  	v0 =	vld [tilespmem:s23+$0xFFFFFFF0];
	[tilespmem:s21+$0x50] =	vst v2  }
0x93: {  	v10 =	vld [tilespmem:s23+$0x90];
	[tilespmem:s21+$0xFFFFFFE0] =	vst v7  }
0x94: {  	v23 =	vld [tilespmem:s23+$0xF0];
	[tilespmem:s21+$0xFFFFFF40] =	vst v14  }
0x95: {  	v6 =	vld [tilespmem:s23+$0x60];
	[tilespmem:s21+$0x40] =	vst v3  }
0x96: {  	v11 =	vld [tilespmem:s23+$0xA0];
	[tilespmem:s21+$0xFFFFFFD0] =	vst v24  }
0x97: {  	v13 =	vld [tilespmem:s23+$0xB0];
	[tilespmem:s21+$0x30] =	vst v8  }
0x98: {  	v24 =	vld [tilespmem:s23+$0xD0];
	[tilespmem:s21+$0xFFFFFF50] =	vst v17  }
0x99: {  	v14 =	vld [tilespmem:s23+$0xFFFFFF00];
	[tilespmem:s21+$0xFFFFFFB0] =	vst v15  }
0x9a: {  	v2 =	vld [tilespmem:s23+$0x50];
	[tilespmem:s21+$0xFFFFFF80] =	vst v5  }
0x9b: {  	v5 =	vld [tilespmem:s23+$0xFFFFFF80];
	[tilespmem:s21+$0x0] =	vst v19  }
0x9c: {  	v8 =	vld [tilespmem:s23+$0x80];
	[tilespmem:s21+$0xFFFFFFF0] =	vst v12  }
0x9d: {  	v15 =	vld [tilespmem:s23+$0xE0];
	[tilespmem:s21+$0x20] =	vst v26  }
0x9e: {  	v12 =	vld [tilespmem:s23+$0xFFFFFF70];
	[tilespmem:s21+$0xFFFFFFA0] =	vst v21  }
0x9f: {  	v3 =	vld [tilespmem:s23+$0x40];
	[tilespmem:s21+$0xFFFFFF90] =	vst v22  }
0xa0: {  	s24 =	sshra.s32 s24, $0x2;
	v9 =	vld [tilespmem:s23+$0xFFFFFFC0];
	[tilespmem:s21+$0x10] =	vst v25;
	s21 =	smov.u32 s23  }
0xa1: {  	v4 =	vld [tilespmem:s24+$0x8800]  }
0xa2: {  	v7 =	vld [tilespmem:s23+$0xFFFFFFE0]  }
0xa3: {  	v17 =	vld [tilespmem:s23+$0xFFFFFF20]  }
.Ltmp0:
0xa4: {  	v20 =	vld [tilespmem:s23+$0xFFFFFF10];
	(pc) =	sbr.rel @p0 .LBB2_2-.Ltmp0, $4  }
0xa5: {  	v16 =	vld [tilespmem:s23+$0xFFFFFF30]  }
0xa6: {  	v4 =	vnsel vm0, $0x0, v4;
	v18 =	vld [tilespmem:s23+$0xC0]  }
0xa7: {  	v21 =	vsub.f32 v14, v4;
	v14 =	vld [tilespmem:s23+$0xFFFFFF40];
	v23 =	vsub.f32 v23, v4  }
0xa8: {  	v22 =	vsub.f32 v24, v4;
	v17 =	vsub.f32 v17, v4;
	v19 =	vld [tilespmem:s23+$0xFFFFFF60]  }
0xa9: {  	[tilespmem:s21+$0xF0] =	vst v23  }
0xaa: {  	[tilespmem:s21+$0xFFFFFF00] =	vst v21  }
0xab: {  	v13 =	vsub.f32 v13, v4;
	[tilespmem:s21+$0xD0] =	vst v22  }
0xac: {  	v10 =	vsub.f32 v10, v4;
	[tilespmem:s21+$0xFFFFFF20] =	vst v17  }
0xad: {  	v15 =	vsub.f32 v15, v4;
	[tilespmem:s21+$0xB0] =	vst v13  }
0xae: {  	v11 =	vsub.f32 v11, v4;
	[tilespmem:s21+$0x90] =	vst v10  }
0xaf: {  	v1 =	vsub.f32 v1, v4;
	[tilespmem:s21+$0xE0] =	vst v15  }
0xb0: {  	v6 =	vsub.f32 v6, v4;
	[tilespmem:s21+$0xA0] =	vst v11  }
0xb1: {  	v12 =	vsub.f32 v12, v4;
	[tilespmem:s21+$0x70] =	vst v1  }
0xb2: {  	v8 =	vsub.f32 v8, v4;
	[tilespmem:s21+$0x60] =	vst v6  }
0xb3: {  	v44 =	vsub.f32 v20, v4;
	[tilespmem:s21+$0xFFFFFF70] =	vst v12  }
0xb4: {  	v9 =	vsub.f32 v9, v4;
	[tilespmem:s21+$0x80] =	vst v8  }
0xb5: {  	v2 =	vsub.f32 v2, v4;
	[tilespmem:s21+$0xFFFFFF10] =	vst v44  }
0xb6: {  	v7 =	vsub.f32 v7, v4;
	[tilespmem:s21+$0xFFFFFFC0] =	vst v9  }
0xb7: {  	v54 =	vsub.f32 v3, v4;
	[tilespmem:s21+$0x50] =	vst v2  }
0xb8: {  	v5 =	vsub.f32 v5, v4;
	[tilespmem:s21+$0xFFFFFFE0] =	vst v7  }
0xb9: {  	v47 =	vld [tilespmem:s21+$0xFFFFFFD0];
	v0 =	vsub.f32 v0, v4;
	[tilespmem:s21+$0x40] =	vst v54  }
0xba: {  	v42 =	vld [tilespmem:s21+$0x30];
	v48 =	vsub.f32 v16, v4;
	[tilespmem:s21+$0xFFFFFF80] =	vst v5  }
0xbb: {  	v40 =	vld [tilespmem:s21+$0xFFFFFF50];
	v45 =	vsub.f32 v18, v4;
	[tilespmem:s21+$0xFFFFFFF0] =	vst v0  }
0xbc: {  	v49 =	vld [tilespmem:s21+$0xFFFFFFB0];
	[tilespmem:s21+$0xFFFFFF30] =	vst v48;
	v52 =	vsub.f32 v14, v4  }
0xbd: {  	v50 =	vld [tilespmem:s21+$0x0];
	v46 =	vsub.f32 v19, v4;
	[tilespmem:s21+$0xC0] =	vst v45  }
0xbe: {  	v51 =	vld [tilespmem:s21+$0x20];
	v55 =	vsub.f32 v47, v4;
	[tilespmem:s21+$0xFFFFFF40] =	vst v52  }
0xbf: {  	v41 =	vld [tilespmem:s21+$0xFFFFFFA0];
	v56 =	vsub.f32 v42, v4;
	[tilespmem:s21+$0xFFFFFF60] =	vst v46  }
0xc0: {  	v43 =	vld [tilespmem:s21+$0xFFFFFF90];
	v57 =	vsub.f32 v40, v4;
	[tilespmem:s21+$0xFFFFFFD0] =	vst v55  }
0xc1: {  	v53 =	vld [tilespmem:s21+$0x10];
	v58 =	vsub.f32 v49, v4;
	[tilespmem:s21+$0x30] =	vst v56  }
0xc2: {  	v59 =	vsub.f32 v50, v4;
	[tilespmem:s21+$0xFFFFFF50] =	vst v57  }
0xc3: {  	v60 =	vsub.f32 v51, v4;
	[tilespmem:s21+$0xFFFFFFB0] =	vst v58  }
0xc4: {  	v61 =	vsub.f32 v41, v4;
	[tilespmem:s21+$0x0] =	vst v59  }
0xc5: {  	v62 =	vsub.f32 v43, v4;
	[tilespmem:s21+$0x20] =	vst v60  }
0xc6: {  	s20 =	sadd.s32 $0x1, s20;
	v63 =	vsub.f32 v53, v4;
	[tilespmem:s21+$0xFFFFFFA0] =	vst v61  }
0xc7: {  	p0 =	sne.s32 s20, s7;
	[tilespmem:s21+$0xFFFFFF90] =	vst v62  }
.Ltmp1:
0xc8: {  	[tilespmem:s21+$0x10] =	vst v63;
	(pc) =	sbr.rel @p0 .LBB2_1-.Ltmp1, $4  }
0xc9: {  	[hbm4b:s6+s2] =	stream.linear.scatter [tilespmem:s11], [sflag:$0x2], $0x8000, $0x38;
	[tilespmem:$0x8C00] =	vst v63  }
0xca: {  	_ =	swait.ge [sflag:s8], $0x8000  }
0xcb: {  	[sflag:s8] =	ssyncset.done $0x0  }
0xcc: {  	[sflag:s8] =	ssyncadd.s32 $0xFFFF8000  }
0xcd: {  	_ =	sfence.sel $0x180000  }
0xce: {  	[bflag:$0x0] =	sbarrier.arrive $0xFFFF  }
0xcf: {  	_ =	strace $0x90000047  }
0xd0: {  	s0 =	stileid.u32;
	[bflag:$0x2] =	sbarrier.arrive $0xFFFF  }
0xd1: {  	p0 =	sne.s32 s0, $0x0;
	s0 =	rddreg [dreg:$0x2]  }
0xd2: {  	s0 =	sadd.s32 @!p0 $0x100000, s0  }
0xd3: {  	[sflag:s0] =	ssyncadd.tile.s32 @!p0 $0x1;
	_ =	shalt  }
.Lfunc_end2:
_tile_overlayer_lowered:
.L_overlay_start_2:
0xd4: {  	(tag) =	ssettag $0x2  }
0xd5: {  	s0 =	rddreg [dreg:$0x0];
	s2 =	stileid.u32  }
0xd6: {  	s1 =	rddreg [dreg:$0x1];
	p0 =	sne.s32 s2, $0x0  }
0xd7: {  	s3 =	rddreg [dreg:$0x2];
	[bflag:$0x3] =	sbarrier.arrive $0xFFFF;
	s2 =	simm.s32 @!p0 $0x1C02  }
0xd8: {  	[timem:s3], [sflag:s2] =	dma.local @!p0 [hbm:s0], s1  }
0xd9: {  	s0 =	simm.s32 @!p0 $0x2  }
0xda: {  	_ =	swait.ge @!p0 [sflag:s0], s1  }
0xdb: {  	s1 =	ssub.s32 @!p0 $0x0, s1;
	[sflag:s0] =	ssyncset.done @!p0 $0x0  }
0xdc: {  	[sflag:s0] =	ssyncadd.s32 @!p0 s1  }
0xdd: {  	[bflag:$0x3] =	sbarrier.arrive $0xFFFF  }
0xde: {  	_ =	shalt  }

</sc_bundles>
